<compile_context>
chip_gen: v7x
topology: tpu7x:2x2x1
jax: 0.10.2.dev20260603
libtpu: 0.0.44.dev20260713+nightly
codegen_flags: <defaults>
</compile_context>

<pallas_src>
import functools

import jax
import jax.numpy as jnp
from jax import lax
from jax.experimental import pallas as pl
from jax.experimental.pallas import tpu as pltpu
from jax.experimental.pallas import tpu_sc as plsc

BATCH = 4096
IN_DIM = 768
E_DIM = 32
K = 8192
BETA = 0.25
TILE = 512

_dot = functools.partial(jax.lax.dot_general, preferred_element_type=jnp.float32)
_NC, _NS = 2, 16
_NW = _NC * _NS


def _argmin_idx(r, cbT):
    csq = jnp.sum(cbT * cbT, axis=0, keepdims=True)
    s = csq + _dot(-2.0 * r, cbT, (((1,), (0,)), ((), ())))
    return jnp.argmin(s, axis=1, keepdims=True).astype(jnp.int32)


def _encode_kernel(x_ref, We0_ref, be0_ref, We1_ref, be1_ref, We2_ref, be2_ref,
                   cbT_ref, z_ref, idx_ref):
    h = jnp.maximum(_dot(x_ref[...], We0_ref[...], (((1,), (0,)), ((), ()))) + be0_ref[...], 0.0)
    h = jnp.maximum(_dot(h, We1_ref[...], (((1,), (0,)), ((), ()))) + be1_ref[...], 0.0)
    z = _dot(h, We2_ref[...], (((1,), (0,)), ((), ()))) + be2_ref[...]
    z_ref[...] = z
    idx_ref[...] = _argmin_idx(z, cbT_ref[...])


def _step_kernel(r_ref, q_ref, acc_ref, cbT_ref, rout_ref, accout_ref, idx_ref,
                 lsum_ref):
    @pl.when(pl.program_id(0) == 0)
    def _init():
        lsum_ref[...] = jnp.zeros_like(lsum_ref)

    r = r_ref[...]
    t = q_ref[...] - r
    lsum_ref[...] += jnp.sum(t * t)
    q_st = r + t
    accout_ref[...] = acc_ref[...] + q_st
    rnew = r - q_st
    rout_ref[...] = rnew
    idx_ref[...] = _argmin_idx(rnew, cbT_ref[...])


def _decode_kernel(r_ref, q_ref, acc_ref, Wd0_ref, bd0_ref, Wd1_ref, bd1_ref,
                   Wd2_ref, bd2_ref, out_ref, lsum_ref):
    @pl.when(pl.program_id(0) == 0)
    def _init():
        lsum_ref[...] = jnp.zeros_like(lsum_ref)

    r = r_ref[...]
    t = q_ref[...] - r
    lsum_ref[...] += jnp.sum(t * t)
    xq = acc_ref[...] + (r + t)
    h = jnp.maximum(_dot(xq, Wd0_ref[...], (((1,), (0,)), ((), ()))) + bd0_ref[...], 0.0)
    h = jnp.maximum(_dot(h, Wd1_ref[...], (((1,), (0,)), ((), ()))) + bd1_ref[...], 0.0)
    out_ref[...] = _dot(h, Wd2_ref[...], (((1,), (0,)), ((), ()))) + bd2_ref[...]


NCHAINS = 2
HALF = BATCH // NCHAINS


def _row_block(d1):
    return pl.BlockSpec((TILE, d1), lambda i: (i, 0))


def _full(shape):
    return pl.BlockSpec(shape, lambda i: (0,) * len(shape))


_GRID = (HALF // TILE,)
_IDX_SPEC = pl.BlockSpec((TILE, 1), lambda i: (i, 0))
_IDX_TYPE = jax.ShapeDtypeStruct((HALF, 1), jnp.int32)
_LSUM_SPEC = _full((1, 128))
_LSUM_TYPE = jax.ShapeDtypeStruct((1, 128), jnp.float32)
_VEC_SPEC = pl.BlockSpec((TILE, E_DIM), lambda i: (i, 0))
_VEC_TYPE = jax.ShapeDtypeStruct((HALF, E_DIM), jnp.float32)


def _sc_gather(table, idx):
    nrows = idx.shape[0]
    bpw = nrows // _NW
    width = table.shape[1]
    mesh = plsc.VectorSubcoreMesh(core_axis_name="c", subcore_axis_name="s")

    @functools.partial(
        pl.kernel,
        out_type=jax.ShapeDtypeStruct((nrows, width), jnp.float32),
        mesh=mesh,
        scratch_types=[
            pltpu.VMEM((bpw,), jnp.int32),
            pltpu.VMEM((bpw, width), jnp.float32),
            pltpu.SemaphoreType.DMA,
        ],
    )
    def gather(table_hbm, idx_hbm, out_hbm, idx_v, rows_v, sem):
        wid = lax.axis_index("s") * _NC + lax.axis_index("c")
        base = wid * bpw
        pltpu.sync_copy(idx_hbm.at[pl.ds(base, bpw)], idx_v)
        pltpu.async_copy(table_hbm.at[idx_v], rows_v, sem).wait()
        pltpu.sync_copy(rows_v, out_hbm.at[pl.ds(base, bpw)])

    return gather(table, idx)


def kernel(x, We0, be0, We1, be1, We2, be2, Wd0, bd0, Wd1, bd1, Wd2, bd2, codebooks):
    cbT = jnp.transpose(codebooks, (0, 2, 1))
    cb_pad = jnp.pad(codebooks, ((0, 0), (0, 0), (0, 128 - E_DIM)))

    encode = pl.pallas_call(
        _encode_kernel,
        grid=_GRID,
        in_specs=[
            _row_block(IN_DIM),
            _full((IN_DIM, 512)), _full((1, 512)),
            _full((512, 128)), _full((1, 128)),
            _full((128, E_DIM)), _full((1, E_DIM)),
            _full((E_DIM, K)),
        ],
        out_specs=[_VEC_SPEC, _IDX_SPEC],
        out_shape=[_VEC_TYPE, _IDX_TYPE],
    )
    step = pl.pallas_call(
        _step_kernel,
        grid=_GRID,
        in_specs=[_VEC_SPEC, _VEC_SPEC, _VEC_SPEC, _full((E_DIM, K))],
        out_specs=[_VEC_SPEC, _VEC_SPEC, _IDX_SPEC, _LSUM_SPEC],
        out_shape=[_VEC_TYPE, _VEC_TYPE, _IDX_TYPE, _LSUM_TYPE],
    )
    decode = pl.pallas_call(
        _decode_kernel,
        grid=_GRID,
        in_specs=[
            _VEC_SPEC, _VEC_SPEC, _VEC_SPEC,
            _full((E_DIM, 128)), _full((1, 128)),
            _full((128, 512)), _full((1, 512)),
            _full((512, IN_DIM)), _full((1, IN_DIM)),
        ],
        out_specs=[_row_block(IN_DIM), _LSUM_SPEC],
        out_shape=[jax.ShapeDtypeStruct((HALF, IN_DIM), jnp.float32), _LSUM_TYPE],
    )

    be = [b.reshape(1, -1) for b in (be0, be1, be2)]
    bd = [b.reshape(1, -1) for b in (bd0, bd1, bd2)]
    halves = []
    for h in range(NCHAINS):
        xh = x[h * HALF:(h + 1) * HALF]
        z, idx = encode(xh, We0, be[0], We1, be[1], We2, be[2], cbT[0])
        halves.append({"r": z, "acc": jnp.zeros((HALF, E_DIM), jnp.float32),
                       "idxs": [idx], "lsums": []})
    for l in range(3):
        for h in halves:
            q = _sc_gather(cb_pad[l], h["idxs"][-1].reshape(-1))[:, :E_DIM]
            h["r"], h["acc"], idx, ls = step(h["r"], q, h["acc"], cbT[l + 1])
            h["idxs"].append(idx)
            h["lsums"].append(ls)
    outs = []
    for h in halves:
        q3 = _sc_gather(cb_pad[3], h["idxs"][-1].reshape(-1))[:, :E_DIM]
        out_h, ls3 = decode(h["r"], q3, h["acc"], Wd0, bd[0], Wd1, bd[1], Wd2, bd[2])
        h["lsums"].append(ls3)
        outs.append(out_h)

    per_level = jnp.stack(
        [sum(h["lsums"][l][0, 0] for h in halves) for l in range(4)]
    ) / (BATCH * E_DIM)
    rq_loss = jnp.mean((1.0 + BETA) * per_level)
    orth_loss = jnp.zeros((), dtype=jnp.float32)
    indices = jnp.concatenate(
        [jnp.concatenate(h["idxs"], axis=1) for h in halves], axis=0)
    out = jnp.concatenate(outs, axis=0)
    return (out, rq_loss, orth_loss, indices)

# --- scband reference (transcript-rebuilt; emitter-appended) ---
"""Pipeline reference for scband-rqvae-59605556134139 (READ-ONLY COPY).

The authoritative reference and input builder live on the scoring server;
editing this copy changes nothing except your own understanding.
"""

import jax, jax.numpy as jnp
import numpy as np

BATCH = 4096
IN_DIM = 768
LAYERS = [512, 128]
E_DIM = 32
NUM_LEVELS = 4
CODEBOOK_SIZE = 8192
BETA = 0.25


def setup_inputs(seed: int = 0):
    key = jax.random.key(seed)
    dims = [IN_DIM] + LAYERS + [E_DIM]
    rdims = dims[::-1]
    inp = {}
    inp["x"] = jax.random.normal(jax.random.fold_in(key, 0), (BATCH, IN_DIM), dtype=jnp.float32)
    ki = 1
    for li in range(len(dims) - 1):
        din, dout = dims[li], dims[li + 1]
        inp["We%d" % li] = jax.random.normal(jax.random.fold_in(key, ki), (din, dout), dtype=jnp.float32) * (1.0 / np.sqrt(din))
        ki += 1
        inp["be%d" % li] = jnp.zeros((dout,), dtype=jnp.float32)
    for li in range(len(rdims) - 1):
        din, dout = rdims[li], rdims[li + 1]
        inp["Wd%d" % li] = jax.random.normal(jax.random.fold_in(key, ki), (din, dout), dtype=jnp.float32) * (1.0 / np.sqrt(din))
        ki += 1
        inp["bd%d" % li] = jnp.zeros((dout,), dtype=jnp.float32)
    inp["codebooks"] = jax.random.normal(jax.random.fold_in(key, ki), (NUM_LEVELS, CODEBOOK_SIZE, E_DIM), dtype=jnp.float32)
    return inp


def _mlp(x, Ws, bs):
    n = len(Ws)
    for i in range(n):
        x = x @ Ws[i] + bs[i]
        if i < n - 1:
            x = jax.nn.relu(x)
    return x


def _vq_layer(latent, emb):
    # squared L2 distances to every code: [B, K]
    d = jnp.sum(latent ** 2, axis=1, keepdims=True) + jnp.sum(emb ** 2, axis=1) - 2.0 * (latent @ emb.T)
    indices = jnp.argmin(d, axis=1)
    x_q = jnp.take(emb, indices, axis=0)
    codebook_loss = jnp.mean((x_q - jax.lax.stop_gradient(latent)) ** 2)
    commitment_loss = jnp.mean((jax.lax.stop_gradient(x_q) - latent) ** 2)
    loss = codebook_loss + BETA * commitment_loss
    # straight-through estimator
    x_q_st = latent + jax.lax.stop_gradient(x_q - latent)
    return x_q_st, loss, indices, d


def reference(x, We0, be0, We1, be1, We2, be2, Wd0, bd0, Wd1, bd1, Wd2, bd2, codebooks):
    z = _mlp(x, [We0, We1, We2], [be0, be1, be2])
    residual = z
    x_q = jnp.zeros_like(z)
    losses = []
    idxs = []
    for l in range(NUM_LEVELS):
        q, loss, ind, d = _vq_layer(residual, codebooks[l])
        residual = residual - q
        x_q = x_q + q
        losses.append(loss)
        idxs.append(ind)
    rq_loss = jnp.mean(jnp.stack(losses))
    indices = jnp.stack(idxs, axis=-1)
    # use_orth_loss = False -> constant zero, detached from graph
    orth_loss = jnp.zeros((), dtype=z.dtype)
    out = _mlp(x_q, [Wd0, Wd1, Wd2], [bd0, bd1, bd2])
    return (out, rq_loss, orth_loss, indices)

if __name__ == "__main__":
    import jax
    _d = setup_inputs()
    print(jax.jit(kernel)(*tuple(_d.values())))

</pallas_src>

<mosaic_0001>
#map = affine_map<(d0, d1) -> (0, 0)>
#map1 = affine_map<(d0, d1) -> (0)>
module attributes {stable_mosaic.version = 14 : i64} {
  func.func @gather(%arg0: i32, %arg1: i32, %arg2: memref<8192x128xf32, #tpu.memory_space<hbm>>, %arg3: memref<2048xi32, #tpu.memory_space<hbm>>, %arg4: memref<2048x128xf32, #tpu.memory_space<hbm>>, %arg5: memref<64xi32, #tpu.memory_space<vmem>>, %arg6: memref<64x128xf32, #tpu.memory_space<vmem>>, %arg7: memref<!tpu.dma_semaphore, #tpu.memory_space<semaphore_mem>>) attributes {dimension_semantics = [#tpu.dimension_semantics<core_parallel>, #tpu.dimension_semantics<subcore_parallel>], iteration_bounds = array<i64: 2, 16>, scalar_prefetch = 0 : i64, scratch_operands = 3 : i64, tpu.core_type = #tpu.core_type<sc_vector_subcore>, window_params = [{transform_indices = #map}, {transform_indices = #map1}, {transform_indices = #map}]} {
    %mul3A = arith.constant 2 : i32
    %mul3A_0 = arith.muli %arg1, %mul3A : i32
    %add3A = arith.addi %mul3A_0, %arg0 : i32
    %mul3A_1 = arith.constant 64 : i32
    %mul3A_2 = arith.muli %add3A, %mul3A_1 : i32
    "tpu.region"() ({
      %run_scoped3A = tpu.sem_alloc : memref<!tpu.dma_semaphore, #tpu.memory_space<semaphore_mem>>
      %dma_start3A_7 = tpu.memref_slice %arg3[%mul3A_2] : memref<2048xi32, #tpu.memory_space<hbm>> -> memref<64xi32, #tpu.memory_space<hbm>>
      %dma_start3A_8 = tpu.memref_slice %arg3[%mul3A_2] : memref<2048xi32, #tpu.memory_space<hbm>> -> memref<64xi32, #tpu.memory_space<hbm>>
      tpu.enqueue_dma source(%dma_start3A_8 : memref<64xi32, #tpu.memory_space<hbm>>) target(%arg5 : memref<64xi32, #tpu.memory_space<vmem>>) target_semaphore(%run_scoped3A : memref<!tpu.dma_semaphore, #tpu.memory_space<semaphore_mem>>)
      %dma_wait3A_9 = tpu.memref_slice %arg3[%mul3A_2] : memref<2048xi32, #tpu.memory_space<hbm>> -> memref<64xi32, #tpu.memory_space<hbm>>
      %dma_wait3A_10 = tpu.memref_slice %arg3[%mul3A_2] : memref<2048xi32, #tpu.memory_space<hbm>> -> memref<64xi32, #tpu.memory_space<hbm>>
      tpu.wait_dma2 semaphore(%run_scoped3A : memref<!tpu.dma_semaphore, #tpu.memory_space<semaphore_mem>>) src(%dma_wait3A_10 : memref<64xi32, #tpu.memory_space<hbm>>) dst(%arg5 : memref<64xi32, #tpu.memory_space<vmem>>)
      tpu.yield
    }) : () -> ()
    %dma_start3A = arith.constant 0 : i32
    %dma_start3A_3 = arith.constant 0 : i32
    %dma_start3A_4 = tpu.memref_slice %arg2[%dma_start3A, %dma_start3A_3] : memref<8192x128xf32, #tpu.memory_space<hbm>> -> memref<8192x128xf32, #tpu.memory_space<hbm>>
    tpu.enqueue_indirect_dma source(%dma_start3A_4 : memref<8192x128xf32, #tpu.memory_space<hbm>>) target(%arg6 : memref<64x128xf32, #tpu.memory_space<vmem>>) offsets(%arg5 : memref<64xi32, #tpu.memory_space<vmem>>) semaphore(%arg7 : memref<!tpu.dma_semaphore, #tpu.memory_space<semaphore_mem>>)
    %dma_wait3A = arith.constant 0 : i32
    %dma_wait3A_5 = arith.constant 0 : i32
    %dma_wait3A_6 = tpu.memref_slice %arg2[%dma_wait3A, %dma_wait3A_5] : memref<8192x128xf32, #tpu.memory_space<hbm>> -> memref<8192x128xf32, #tpu.memory_space<hbm>>
    tpu.wait_indirect_dma semaphore(%arg7 : memref<!tpu.dma_semaphore, #tpu.memory_space<semaphore_mem>>) src(%dma_wait3A_6 : memref<8192x128xf32, #tpu.memory_space<hbm>>) dst(%arg6 : memref<64x128xf32, #tpu.memory_space<vmem>>)
    "tpu.region"() ({
      %run_scoped3A = tpu.sem_alloc : memref<!tpu.dma_semaphore, #tpu.memory_space<semaphore_mem>>
      %dma_start3A_7 = arith.constant 0 : i32
      %dma_start3A_8 = tpu.memref_slice %arg4[%mul3A_2, %dma_start3A_7] : memref<2048x128xf32, #tpu.memory_space<hbm>> -> memref<64x128xf32, #tpu.memory_space<hbm>>
      %dma_start3A_9 = arith.constant 0 : i32
      %dma_start3A_10 = tpu.memref_slice %arg4[%mul3A_2, %dma_start3A_9] : memref<2048x128xf32, #tpu.memory_space<hbm>> -> memref<64x128xf32, #tpu.memory_space<hbm>>
      tpu.enqueue_dma source(%arg6 : memref<64x128xf32, #tpu.memory_space<vmem>>) target(%dma_start3A_10 : memref<64x128xf32, #tpu.memory_space<hbm>>) target_semaphore(%run_scoped3A : memref<!tpu.dma_semaphore, #tpu.memory_space<semaphore_mem>>)
      %dma_wait3A_11 = arith.constant 0 : i32
      %dma_wait3A_12 = tpu.memref_slice %arg4[%mul3A_2, %dma_wait3A_11] : memref<2048x128xf32, #tpu.memory_space<hbm>> -> memref<64x128xf32, #tpu.memory_space<hbm>>
      %dma_wait3A_13 = arith.constant 0 : i32
      %dma_wait3A_14 = tpu.memref_slice %arg4[%mul3A_2, %dma_wait3A_13] : memref<2048x128xf32, #tpu.memory_space<hbm>> -> memref<64x128xf32, #tpu.memory_space<hbm>>
      tpu.wait_dma2 semaphore(%run_scoped3A : memref<!tpu.dma_semaphore, #tpu.memory_space<semaphore_mem>>) src(%arg6 : memref<64x128xf32, #tpu.memory_space<vmem>>) dst(%dma_wait3A_14 : memref<64x128xf32, #tpu.memory_space<hbm>>)
      tpu.yield
    }) : () -> ()
    return
  }
}

#map = affine_map<(d0, d1) -> (0, 0)>
#map1 = affine_map<(d0, d1) -> (0)>
module attributes {stable_mosaic.version = 14 : i64} {
  func.func @gather(%arg0: i32, %arg1: i32, %arg2: memref<8192x128xf32, #tpu.memory_space<hbm>>, %arg3: memref<2048xi32, #tpu.memory_space<hbm>>, %arg4: memref<2048x128xf32, #tpu.memory_space<hbm>>, %arg5: memref<64xi32, #tpu.memory_space<vmem>>, %arg6: memref<64x128xf32, #tpu.memory_space<vmem>>, %arg7: memref<!tpu.dma_semaphore, #tpu.memory_space<semaphore_mem>>) attributes {dimension_semantics = [#tpu.dimension_semantics<core_parallel>, #tpu.dimension_semantics<subcore_parallel>], iteration_bounds = array<i64: 2, 16>, scalar_prefetch = 0 : i64, scratch_operands = 3 : i64, tpu.core_type = #tpu.core_type<sc_vector_subcore>, window_params = [{transform_indices = #map}, {transform_indices = #map1}, {transform_indices = #map}]} {
    %mul3A = arith.constant 2 : i32
    %mul3A_0 = arith.muli %arg1, %mul3A : i32
    %add3A = arith.addi %mul3A_0, %arg0 : i32
    %mul3A_1 = arith.constant 64 : i32
    %mul3A_2 = arith.muli %add3A, %mul3A_1 : i32
    "tpu.region"() ({
      %run_scoped3A = tpu.sem_alloc : memref<!tpu.dma_semaphore, #tpu.memory_space<semaphore_mem>>
      %dma_start3A_7 = tpu.memref_slice %arg3[%mul3A_2] : memref<2048xi32, #tpu.memory_space<hbm>> -> memref<64xi32, #tpu.memory_space<hbm>>
      %dma_start3A_8 = tpu.memref_slice %arg3[%mul3A_2] : memref<2048xi32, #tpu.memory_space<hbm>> -> memref<64xi32, #tpu.memory_space<hbm>>
      tpu.enqueue_dma source(%dma_start3A_8 : memref<64xi32, #tpu.memory_space<hbm>>) target(%arg5 : memref<64xi32, #tpu.memory_space<vmem>>) target_semaphore(%run_scoped3A : memref<!tpu.dma_semaphore, #tpu.memory_space<semaphore_mem>>)
      %dma_wait3A_9 = tpu.memref_slice %arg3[%mul3A_2] : memref<2048xi32, #tpu.memory_space<hbm>> -> memref<64xi32, #tpu.memory_space<hbm>>
      %dma_wait3A_10 = tpu.memref_slice %arg3[%mul3A_2] : memref<2048xi32, #tpu.memory_space<hbm>> -> memref<64xi32, #tpu.memory_space<hbm>>
      tpu.wait_dma2 semaphore(%run_scoped3A : memref<!tpu.dma_semaphore, #tpu.memory_space<semaphore_mem>>) src(%dma_wait3A_10 : memref<64xi32, #tpu.memory_space<hbm>>) dst(%arg5 : memref<64xi32, #tpu.memory_space<vmem>>)
      tpu.yield
    }) : () -> ()
    %dma_start3A = arith.constant 0 : i32
    %dma_start3A_3 = arith.constant 0 : i32
    %dma_start3A_4 = tpu.memref_slice %arg2[%dma_start3A, %dma_start3A_3] : memref<8192x128xf32, #tpu.memory_space<hbm>> -> memref<8192x128xf32, #tpu.memory_space<hbm>>
    tpu.enqueue_indirect_dma source(%dma_start3A_4 : memref<8192x128xf32, #tpu.memory_space<hbm>>) target(%arg6 : memref<64x128xf32, #tpu.memory_space<vmem>>) offsets(%arg5 : memref<64xi32, #tpu.memory_space<vmem>>) semaphore(%arg7 : memref<!tpu.dma_semaphore, #tpu.memory_space<semaphore_mem>>)
    %dma_wait3A = arith.constant 0 : i32
    %dma_wait3A_5 = arith.constant 0 : i32
    %dma_wait3A_6 = tpu.memref_slice %arg2[%dma_wait3A, %dma_wait3A_5] : memref<8192x128xf32, #tpu.memory_space<hbm>> -> memref<8192x128xf32, #tpu.memory_space<hbm>>
    tpu.wait_indirect_dma semaphore(%arg7 : memref<!tpu.dma_semaphore, #tpu.memory_space<semaphore_mem>>) src(%dma_wait3A_6 : memref<8192x128xf32, #tpu.memory_space<hbm>>) dst(%arg6 : memref<64x128xf32, #tpu.memory_space<vmem>>)
    "tpu.region"() ({
      %run_scoped3A = tpu.sem_alloc : memref<!tpu.dma_semaphore, #tpu.memory_space<semaphore_mem>>
      %dma_start3A_7 = arith.constant 0 : i32
      %dma_start3A_8 = tpu.memref_slice %arg4[%mul3A_2, %dma_start3A_7] : memref<2048x128xf32, #tpu.memory_space<hbm>> -> memref<64x128xf32, #tpu.memory_space<hbm>>
      %dma_start3A_9 = arith.constant 0 : i32
      %dma_start3A_10 = tpu.memref_slice %arg4[%mul3A_2, %dma_start3A_9] : memref<2048x128xf32, #tpu.memory_space<hbm>> -> memref<64x128xf32, #tpu.memory_space<hbm>>
      tpu.enqueue_dma source(%arg6 : memref<64x128xf32, #tpu.memory_space<vmem>>) target(%dma_start3A_10 : memref<64x128xf32, #tpu.memory_space<hbm>>) target_semaphore(%run_scoped3A : memref<!tpu.dma_semaphore, #tpu.memory_space<semaphore_mem>>)
      %dma_wait3A_11 = arith.constant 0 : i32
      %dma_wait3A_12 = tpu.memref_slice %arg4[%mul3A_2, %dma_wait3A_11] : memref<2048x128xf32, #tpu.memory_space<hbm>> -> memref<64x128xf32, #tpu.memory_space<hbm>>
      %dma_wait3A_13 = arith.constant 0 : i32
      %dma_wait3A_14 = tpu.memref_slice %arg4[%mul3A_2, %dma_wait3A_13] : memref<2048x128xf32, #tpu.memory_space<hbm>> -> memref<64x128xf32, #tpu.memory_space<hbm>>
      tpu.wait_dma2 semaphore(%run_scoped3A : memref<!tpu.dma_semaphore, #tpu.memory_space<semaphore_mem>>) src(%arg6 : memref<64x128xf32, #tpu.memory_space<vmem>>) dst(%dma_wait3A_14 : memref<64x128xf32, #tpu.memory_space<hbm>>)
      tpu.yield
    }) : () -> ()
    return
  }
}

#map = affine_map<(d0, d1) -> (0, 0)>
#map1 = affine_map<(d0, d1) -> (0)>
module attributes {stable_mosaic.version = 14 : i64} {
  func.func @gather(%arg0: i32, %arg1: i32, %arg2: memref<8192x128xf32, #tpu.memory_space<hbm>>, %arg3: memref<2048xi32, #tpu.memory_space<hbm>>, %arg4: memref<2048x128xf32, #tpu.memory_space<hbm>>, %arg5: memref<64xi32, #tpu.memory_space<vmem>>, %arg6: memref<64x128xf32, #tpu.memory_space<vmem>>, %arg7: memref<!tpu.dma_semaphore, #tpu.memory_space<semaphore_mem>>) attributes {dimension_semantics = [#tpu.dimension_semantics<core_parallel>, #tpu.dimension_semantics<subcore_parallel>], iteration_bounds = array<i64: 2, 16>, scalar_prefetch = 0 : i64, scratch_operands = 3 : i64, tpu.core_type = #tpu.core_type<sc_vector_subcore>, window_params = [{transform_indices = #map}, {transform_indices = #map1}, {transform_indices = #map}]} {
    %mul3A = arith.constant 2 : i32
    %mul3A_0 = arith.muli %arg1, %mul3A : i32
    %add3A = arith.addi %mul3A_0, %arg0 : i32
    %mul3A_1 = arith.constant 64 : i32
    %mul3A_2 = arith.muli %add3A, %mul3A_1 : i32
    "tpu.region"() ({
      %run_scoped3A = tpu.sem_alloc : memref<!tpu.dma_semaphore, #tpu.memory_space<semaphore_mem>>
      %dma_start3A_7 = tpu.memref_slice %arg3[%mul3A_2] : memref<2048xi32, #tpu.memory_space<hbm>> -> memref<64xi32, #tpu.memory_space<hbm>>
      %dma_start3A_8 = tpu.memref_slice %arg3[%mul3A_2] : memref<2048xi32, #tpu.memory_space<hbm>> -> memref<64xi32, #tpu.memory_space<hbm>>
      tpu.enqueue_dma source(%dma_start3A_8 : memref<64xi32, #tpu.memory_space<hbm>>) target(%arg5 : memref<64xi32, #tpu.memory_space<vmem>>) target_semaphore(%run_scoped3A : memref<!tpu.dma_semaphore, #tpu.memory_space<semaphore_mem>>)
      %dma_wait3A_9 = tpu.memref_slice %arg3[%mul3A_2] : memref<2048xi32, #tpu.memory_space<hbm>> -> memref<64xi32, #tpu.memory_space<hbm>>
      %dma_wait3A_10 = tpu.memref_slice %arg3[%mul3A_2] : memref<2048xi32, #tpu.memory_space<hbm>> -> memref<64xi32, #tpu.memory_space<hbm>>
      tpu.wait_dma2 semaphore(%run_scoped3A : memref<!tpu.dma_semaphore, #tpu.memory_space<semaphore_mem>>) src(%dma_wait3A_10 : memref<64xi32, #tpu.memory_space<hbm>>) dst(%arg5 : memref<64xi32, #tpu.memory_space<vmem>>)
      tpu.yield
    }) : () -> ()
    %dma_start3A = arith.constant 0 : i32
    %dma_start3A_3 = arith.constant 0 : i32
    %dma_start3A_4 = tpu.memref_slice %arg2[%dma_start3A, %dma_start3A_3] : memref<8192x128xf32, #tpu.memory_space<hbm>> -> memref<8192x128xf32, #tpu.memory_space<hbm>>
    tpu.enqueue_indirect_dma source(%dma_start3A_4 : memref<8192x128xf32, #tpu.memory_space<hbm>>) target(%arg6 : memref<64x128xf32, #tpu.memory_space<vmem>>) offsets(%arg5 : memref<64xi32, #tpu.memory_space<vmem>>) semaphore(%arg7 : memref<!tpu.dma_semaphore, #tpu.memory_space<semaphore_mem>>)
    %dma_wait3A = arith.constant 0 : i32
    %dma_wait3A_5 = arith.constant 0 : i32
    %dma_wait3A_6 = tpu.memref_slice %arg2[%dma_wait3A, %dma_wait3A_5] : memref<8192x128xf32, #tpu.memory_space<hbm>> -> memref<8192x128xf32, #tpu.memory_space<hbm>>
    tpu.wait_indirect_dma semaphore(%arg7 : memref<!tpu.dma_semaphore, #tpu.memory_space<semaphore_mem>>) src(%dma_wait3A_6 : memref<8192x128xf32, #tpu.memory_space<hbm>>) dst(%arg6 : memref<64x128xf32, #tpu.memory_space<vmem>>)
    "tpu.region"() ({
      %run_scoped3A = tpu.sem_alloc : memref<!tpu.dma_semaphore, #tpu.memory_space<semaphore_mem>>
      %dma_start3A_7 = arith.constant 0 : i32
      %dma_start3A_8 = tpu.memref_slice %arg4[%mul3A_2, %dma_start3A_7] : memref<2048x128xf32, #tpu.memory_space<hbm>> -> memref<64x128xf32, #tpu.memory_space<hbm>>
      %dma_start3A_9 = arith.constant 0 : i32
      %dma_start3A_10 = tpu.memref_slice %arg4[%mul3A_2, %dma_start3A_9] : memref<2048x128xf32, #tpu.memory_space<hbm>> -> memref<64x128xf32, #tpu.memory_space<hbm>>
      tpu.enqueue_dma source(%arg6 : memref<64x128xf32, #tpu.memory_space<vmem>>) target(%dma_start3A_10 : memref<64x128xf32, #tpu.memory_space<hbm>>) target_semaphore(%run_scoped3A : memref<!tpu.dma_semaphore, #tpu.memory_space<semaphore_mem>>)
      %dma_wait3A_11 = arith.constant 0 : i32
      %dma_wait3A_12 = tpu.memref_slice %arg4[%mul3A_2, %dma_wait3A_11] : memref<2048x128xf32, #tpu.memory_space<hbm>> -> memref<64x128xf32, #tpu.memory_space<hbm>>
      %dma_wait3A_13 = arith.constant 0 : i32
      %dma_wait3A_14 = tpu.memref_slice %arg4[%mul3A_2, %dma_wait3A_13] : memref<2048x128xf32, #tpu.memory_space<hbm>> -> memref<64x128xf32, #tpu.memory_space<hbm>>
      tpu.wait_dma2 semaphore(%run_scoped3A : memref<!tpu.dma_semaphore, #tpu.memory_space<semaphore_mem>>) src(%arg6 : memref<64x128xf32, #tpu.memory_space<vmem>>) dst(%dma_wait3A_14 : memref<64x128xf32, #tpu.memory_space<hbm>>)
      tpu.yield
    }) : () -> ()
    return
  }
}

#map = affine_map<(d0, d1) -> (0, 0)>
#map1 = affine_map<(d0, d1) -> (0)>
module attributes {stable_mosaic.version = 14 : i64} {
  func.func @gather(%arg0: i32, %arg1: i32, %arg2: memref<8192x128xf32, #tpu.memory_space<hbm>>, %arg3: memref<2048xi32, #tpu.memory_space<hbm>>, %arg4: memref<2048x128xf32, #tpu.memory_space<hbm>>, %arg5: memref<64xi32, #tpu.memory_space<vmem>>, %arg6: memref<64x128xf32, #tpu.memory_space<vmem>>, %arg7: memref<!tpu.dma_semaphore, #tpu.memory_space<semaphore_mem>>) attributes {dimension_semantics = [#tpu.dimension_semantics<core_parallel>, #tpu.dimension_semantics<subcore_parallel>], iteration_bounds = array<i64: 2, 16>, scalar_prefetch = 0 : i64, scratch_operands = 3 : i64, tpu.core_type = #tpu.core_type<sc_vector_subcore>, window_params = [{transform_indices = #map}, {transform_indices = #map1}, {transform_indices = #map}]} {
    %mul3A = arith.constant 2 : i32
    %mul3A_0 = arith.muli %arg1, %mul3A : i32
    %add3A = arith.addi %mul3A_0, %arg0 : i32
    %mul3A_1 = arith.constant 64 : i32
    %mul3A_2 = arith.muli %add3A, %mul3A_1 : i32
    "tpu.region"() ({
      %run_scoped3A = tpu.sem_alloc : memref<!tpu.dma_semaphore, #tpu.memory_space<semaphore_mem>>
      %dma_start3A_7 = tpu.memref_slice %arg3[%mul3A_2] : memref<2048xi32, #tpu.memory_space<hbm>> -> memref<64xi32, #tpu.memory_space<hbm>>
      %dma_start3A_8 = tpu.memref_slice %arg3[%mul3A_2] : memref<2048xi32, #tpu.memory_space<hbm>> -> memref<64xi32, #tpu.memory_space<hbm>>
      tpu.enqueue_dma source(%dma_start3A_8 : memref<64xi32, #tpu.memory_space<hbm>>) target(%arg5 : memref<64xi32, #tpu.memory_space<vmem>>) target_semaphore(%run_scoped3A : memref<!tpu.dma_semaphore, #tpu.memory_space<semaphore_mem>>)
      %dma_wait3A_9 = tpu.memref_slice %arg3[%mul3A_2] : memref<2048xi32, #tpu.memory_space<hbm>> -> memref<64xi32, #tpu.memory_space<hbm>>
      %dma_wait3A_10 = tpu.memref_slice %arg3[%mul3A_2] : memref<2048xi32, #tpu.memory_space<hbm>> -> memref<64xi32, #tpu.memory_space<hbm>>
      tpu.wait_dma2 semaphore(%run_scoped3A : memref<!tpu.dma_semaphore, #tpu.memory_space<semaphore_mem>>) src(%dma_wait3A_10 : memref<64xi32, #tpu.memory_space<hbm>>) dst(%arg5 : memref<64xi32, #tpu.memory_space<vmem>>)
      tpu.yield
    }) : () -> ()
    %dma_start3A = arith.constant 0 : i32
    %dma_start3A_3 = arith.constant 0 : i32
    %dma_start3A_4 = tpu.memref_slice %arg2[%dma_start3A, %dma_start3A_3] : memref<8192x128xf32, #tpu.memory_space<hbm>> -> memref<8192x128xf32, #tpu.memory_space<hbm>>
    tpu.enqueue_indirect_dma source(%dma_start3A_4 : memref<8192x128xf32, #tpu.memory_space<hbm>>) target(%arg6 : memref<64x128xf32, #tpu.memory_space<vmem>>) offsets(%arg5 : memref<64xi32, #tpu.memory_space<vmem>>) semaphore(%arg7 : memref<!tpu.dma_semaphore, #tpu.memory_space<semaphore_mem>>)
    %dma_wait3A = arith.constant 0 : i32
    %dma_wait3A_5 = arith.constant 0 : i32
    %dma_wait3A_6 = tpu.memref_slice %arg2[%dma_wait3A, %dma_wait3A_5] : memref<8192x128xf32, #tpu.memory_space<hbm>> -> memref<8192x128xf32, #tpu.memory_space<hbm>>
    tpu.wait_indirect_dma semaphore(%arg7 : memref<!tpu.dma_semaphore, #tpu.memory_space<semaphore_mem>>) src(%dma_wait3A_6 : memref<8192x128xf32, #tpu.memory_space<hbm>>) dst(%arg6 : memref<64x128xf32, #tpu.memory_space<vmem>>)
    "tpu.region"() ({
      %run_scoped3A = tpu.sem_alloc : memref<!tpu.dma_semaphore, #tpu.memory_space<semaphore_mem>>
      %dma_start3A_7 = arith.constant 0 : i32
      %dma_start3A_8 = tpu.memref_slice %arg4[%mul3A_2, %dma_start3A_7] : memref<2048x128xf32, #tpu.memory_space<hbm>> -> memref<64x128xf32, #tpu.memory_space<hbm>>
      %dma_start3A_9 = arith.constant 0 : i32
      %dma_start3A_10 = tpu.memref_slice %arg4[%mul3A_2, %dma_start3A_9] : memref<2048x128xf32, #tpu.memory_space<hbm>> -> memref<64x128xf32, #tpu.memory_space<hbm>>
      tpu.enqueue_dma source(%arg6 : memref<64x128xf32, #tpu.memory_space<vmem>>) target(%dma_start3A_10 : memref<64x128xf32, #tpu.memory_space<hbm>>) target_semaphore(%run_scoped3A : memref<!tpu.dma_semaphore, #tpu.memory_space<semaphore_mem>>)
      %dma_wait3A_11 = arith.constant 0 : i32
      %dma_wait3A_12 = tpu.memref_slice %arg4[%mul3A_2, %dma_wait3A_11] : memref<2048x128xf32, #tpu.memory_space<hbm>> -> memref<64x128xf32, #tpu.memory_space<hbm>>
      %dma_wait3A_13 = arith.constant 0 : i32
      %dma_wait3A_14 = tpu.memref_slice %arg4[%mul3A_2, %dma_wait3A_13] : memref<2048x128xf32, #tpu.memory_space<hbm>> -> memref<64x128xf32, #tpu.memory_space<hbm>>
      tpu.wait_dma2 semaphore(%run_scoped3A : memref<!tpu.dma_semaphore, #tpu.memory_space<semaphore_mem>>) src(%arg6 : memref<64x128xf32, #tpu.memory_space<vmem>>) dst(%dma_wait3A_14 : memref<64x128xf32, #tpu.memory_space<hbm>>)
      tpu.yield
    }) : () -> ()
    return
  }
}

#map = affine_map<(d0, d1) -> (0, 0)>
#map1 = affine_map<(d0, d1) -> (0)>
module attributes {stable_mosaic.version = 14 : i64} {
  func.func @gather(%arg0: i32, %arg1: i32, %arg2: memref<8192x128xf32, #tpu.memory_space<hbm>>, %arg3: memref<2048xi32, #tpu.memory_space<hbm>>, %arg4: memref<2048x128xf32, #tpu.memory_space<hbm>>, %arg5: memref<64xi32, #tpu.memory_space<vmem>>, %arg6: memref<64x128xf32, #tpu.memory_space<vmem>>, %arg7: memref<!tpu.dma_semaphore, #tpu.memory_space<semaphore_mem>>) attributes {dimension_semantics = [#tpu.dimension_semantics<core_parallel>, #tpu.dimension_semantics<subcore_parallel>], iteration_bounds = array<i64: 2, 16>, scalar_prefetch = 0 : i64, scratch_operands = 3 : i64, tpu.core_type = #tpu.core_type<sc_vector_subcore>, window_params = [{transform_indices = #map}, {transform_indices = #map1}, {transform_indices = #map}]} {
    %mul3A = arith.constant 2 : i32
    %mul3A_0 = arith.muli %arg1, %mul3A : i32
    %add3A = arith.addi %mul3A_0, %arg0 : i32
    %mul3A_1 = arith.constant 64 : i32
    %mul3A_2 = arith.muli %add3A, %mul3A_1 : i32
    "tpu.region"() ({
      %run_scoped3A = tpu.sem_alloc : memref<!tpu.dma_semaphore, #tpu.memory_space<semaphore_mem>>
      %dma_start3A_7 = tpu.memref_slice %arg3[%mul3A_2] : memref<2048xi32, #tpu.memory_space<hbm>> -> memref<64xi32, #tpu.memory_space<hbm>>
      %dma_start3A_8 = tpu.memref_slice %arg3[%mul3A_2] : memref<2048xi32, #tpu.memory_space<hbm>> -> memref<64xi32, #tpu.memory_space<hbm>>
      tpu.enqueue_dma source(%dma_start3A_8 : memref<64xi32, #tpu.memory_space<hbm>>) target(%arg5 : memref<64xi32, #tpu.memory_space<vmem>>) target_semaphore(%run_scoped3A : memref<!tpu.dma_semaphore, #tpu.memory_space<semaphore_mem>>)
      %dma_wait3A_9 = tpu.memref_slice %arg3[%mul3A_2] : memref<2048xi32, #tpu.memory_space<hbm>> -> memref<64xi32, #tpu.memory_space<hbm>>
      %dma_wait3A_10 = tpu.memref_slice %arg3[%mul3A_2] : memref<2048xi32, #tpu.memory_space<hbm>> -> memref<64xi32, #tpu.memory_space<hbm>>
      tpu.wait_dma2 semaphore(%run_scoped3A : memref<!tpu.dma_semaphore, #tpu.memory_space<semaphore_mem>>) src(%dma_wait3A_10 : memref<64xi32, #tpu.memory_space<hbm>>) dst(%arg5 : memref<64xi32, #tpu.memory_space<vmem>>)
      tpu.yield
    }) : () -> ()
    %dma_start3A = arith.constant 0 : i32
    %dma_start3A_3 = arith.constant 0 : i32
    %dma_start3A_4 = tpu.memref_slice %arg2[%dma_start3A, %dma_start3A_3] : memref<8192x128xf32, #tpu.memory_space<hbm>> -> memref<8192x128xf32, #tpu.memory_space<hbm>>
    tpu.enqueue_indirect_dma source(%dma_start3A_4 : memref<8192x128xf32, #tpu.memory_space<hbm>>) target(%arg6 : memref<64x128xf32, #tpu.memory_space<vmem>>) offsets(%arg5 : memref<64xi32, #tpu.memory_space<vmem>>) semaphore(%arg7 : memref<!tpu.dma_semaphore, #tpu.memory_space<semaphore_mem>>)
    %dma_wait3A = arith.constant 0 : i32
    %dma_wait3A_5 = arith.constant 0 : i32
    %dma_wait3A_6 = tpu.memref_slice %arg2[%dma_wait3A, %dma_wait3A_5] : memref<8192x128xf32, #tpu.memory_space<hbm>> -> memref<8192x128xf32, #tpu.memory_space<hbm>>
    tpu.wait_indirect_dma semaphore(%arg7 : memref<!tpu.dma_semaphore, #tpu.memory_space<semaphore_mem>>) src(%dma_wait3A_6 : memref<8192x128xf32, #tpu.memory_space<hbm>>) dst(%arg6 : memref<64x128xf32, #tpu.memory_space<vmem>>)
    "tpu.region"() ({
      %run_scoped3A = tpu.sem_alloc : memref<!tpu.dma_semaphore, #tpu.memory_space<semaphore_mem>>
      %dma_start3A_7 = arith.constant 0 : i32
      %dma_start3A_8 = tpu.memref_slice %arg4[%mul3A_2, %dma_start3A_7] : memref<2048x128xf32, #tpu.memory_space<hbm>> -> memref<64x128xf32, #tpu.memory_space<hbm>>
      %dma_start3A_9 = arith.constant 0 : i32
      %dma_start3A_10 = tpu.memref_slice %arg4[%mul3A_2, %dma_start3A_9] : memref<2048x128xf32, #tpu.memory_space<hbm>> -> memref<64x128xf32, #tpu.memory_space<hbm>>
      tpu.enqueue_dma source(%arg6 : memref<64x128xf32, #tpu.memory_space<vmem>>) target(%dma_start3A_10 : memref<64x128xf32, #tpu.memory_space<hbm>>) target_semaphore(%run_scoped3A : memref<!tpu.dma_semaphore, #tpu.memory_space<semaphore_mem>>)
      %dma_wait3A_11 = arith.constant 0 : i32
      %dma_wait3A_12 = tpu.memref_slice %arg4[%mul3A_2, %dma_wait3A_11] : memref<2048x128xf32, #tpu.memory_space<hbm>> -> memref<64x128xf32, #tpu.memory_space<hbm>>
      %dma_wait3A_13 = arith.constant 0 : i32
      %dma_wait3A_14 = tpu.memref_slice %arg4[%mul3A_2, %dma_wait3A_13] : memref<2048x128xf32, #tpu.memory_space<hbm>> -> memref<64x128xf32, #tpu.memory_space<hbm>>
      tpu.wait_dma2 semaphore(%run_scoped3A : memref<!tpu.dma_semaphore, #tpu.memory_space<semaphore_mem>>) src(%arg6 : memref<64x128xf32, #tpu.memory_space<vmem>>) dst(%dma_wait3A_14 : memref<64x128xf32, #tpu.memory_space<hbm>>)
      tpu.yield
    }) : () -> ()
    return
  }
}

#map = affine_map<(d0, d1) -> (0, 0)>
#map1 = affine_map<(d0, d1) -> (0)>
module attributes {stable_mosaic.version = 14 : i64} {
  func.func @gather(%arg0: i32, %arg1: i32, %arg2: memref<8192x128xf32, #tpu.memory_space<hbm>>, %arg3: memref<2048xi32, #tpu.memory_space<hbm>>, %arg4: memref<2048x128xf32, #tpu.memory_space<hbm>>, %arg5: memref<64xi32, #tpu.memory_space<vmem>>, %arg6: memref<64x128xf32, #tpu.memory_space<vmem>>, %arg7: memref<!tpu.dma_semaphore, #tpu.memory_space<semaphore_mem>>) attributes {dimension_semantics = [#tpu.dimension_semantics<core_parallel>, #tpu.dimension_semantics<subcore_parallel>], iteration_bounds = array<i64: 2, 16>, scalar_prefetch = 0 : i64, scratch_operands = 3 : i64, tpu.core_type = #tpu.core_type<sc_vector_subcore>, window_params = [{transform_indices = #map}, {transform_indices = #map1}, {transform_indices = #map}]} {
    %mul3A = arith.constant 2 : i32
    %mul3A_0 = arith.muli %arg1, %mul3A : i32
    %add3A = arith.addi %mul3A_0, %arg0 : i32
    %mul3A_1 = arith.constant 64 : i32
    %mul3A_2 = arith.muli %add3A, %mul3A_1 : i32
    "tpu.region"() ({
      %run_scoped3A = tpu.sem_alloc : memref<!tpu.dma_semaphore, #tpu.memory_space<semaphore_mem>>
      %dma_start3A_7 = tpu.memref_slice %arg3[%mul3A_2] : memref<2048xi32, #tpu.memory_space<hbm>> -> memref<64xi32, #tpu.memory_space<hbm>>
      %dma_start3A_8 = tpu.memref_slice %arg3[%mul3A_2] : memref<2048xi32, #tpu.memory_space<hbm>> -> memref<64xi32, #tpu.memory_space<hbm>>
      tpu.enqueue_dma source(%dma_start3A_8 : memref<64xi32, #tpu.memory_space<hbm>>) target(%arg5 : memref<64xi32, #tpu.memory_space<vmem>>) target_semaphore(%run_scoped3A : memref<!tpu.dma_semaphore, #tpu.memory_space<semaphore_mem>>)
      %dma_wait3A_9 = tpu.memref_slice %arg3[%mul3A_2] : memref<2048xi32, #tpu.memory_space<hbm>> -> memref<64xi32, #tpu.memory_space<hbm>>
      %dma_wait3A_10 = tpu.memref_slice %arg3[%mul3A_2] : memref<2048xi32, #tpu.memory_space<hbm>> -> memref<64xi32, #tpu.memory_space<hbm>>
      tpu.wait_dma2 semaphore(%run_scoped3A : memref<!tpu.dma_semaphore, #tpu.memory_space<semaphore_mem>>) src(%dma_wait3A_10 : memref<64xi32, #tpu.memory_space<hbm>>) dst(%arg5 : memref<64xi32, #tpu.memory_space<vmem>>)
      tpu.yield
    }) : () -> ()
    %dma_start3A = arith.constant 0 : i32
    %dma_start3A_3 = arith.constant 0 : i32
    %dma_start3A_4 = tpu.memref_slice %arg2[%dma_start3A, %dma_start3A_3] : memref<8192x128xf32, #tpu.memory_space<hbm>> -> memref<8192x128xf32, #tpu.memory_space<hbm>>
    tpu.enqueue_indirect_dma source(%dma_start3A_4 : memref<8192x128xf32, #tpu.memory_space<hbm>>) target(%arg6 : memref<64x128xf32, #tpu.memory_space<vmem>>) offsets(%arg5 : memref<64xi32, #tpu.memory_space<vmem>>) semaphore(%arg7 : memref<!tpu.dma_semaphore, #tpu.memory_space<semaphore_mem>>)
    %dma_wait3A = arith.constant 0 : i32
    %dma_wait3A_5 = arith.constant 0 : i32
    %dma_wait3A_6 = tpu.memref_slice %arg2[%dma_wait3A, %dma_wait3A_5] : memref<8192x128xf32, #tpu.memory_space<hbm>> -> memref<8192x128xf32, #tpu.memory_space<hbm>>
    tpu.wait_indirect_dma semaphore(%arg7 : memref<!tpu.dma_semaphore, #tpu.memory_space<semaphore_mem>>) src(%dma_wait3A_6 : memref<8192x128xf32, #tpu.memory_space<hbm>>) dst(%arg6 : memref<64x128xf32, #tpu.memory_space<vmem>>)
    "tpu.region"() ({
      %run_scoped3A = tpu.sem_alloc : memref<!tpu.dma_semaphore, #tpu.memory_space<semaphore_mem>>
      %dma_start3A_7 = arith.constant 0 : i32
      %dma_start3A_8 = tpu.memref_slice %arg4[%mul3A_2, %dma_start3A_7] : memref<2048x128xf32, #tpu.memory_space<hbm>> -> memref<64x128xf32, #tpu.memory_space<hbm>>
      %dma_start3A_9 = arith.constant 0 : i32
      %dma_start3A_10 = tpu.memref_slice %arg4[%mul3A_2, %dma_start3A_9] : memref<2048x128xf32, #tpu.memory_space<hbm>> -> memref<64x128xf32, #tpu.memory_space<hbm>>
      tpu.enqueue_dma source(%arg6 : memref<64x128xf32, #tpu.memory_space<vmem>>) target(%dma_start3A_10 : memref<64x128xf32, #tpu.memory_space<hbm>>) target_semaphore(%run_scoped3A : memref<!tpu.dma_semaphore, #tpu.memory_space<semaphore_mem>>)
      %dma_wait3A_11 = arith.constant 0 : i32
      %dma_wait3A_12 = tpu.memref_slice %arg4[%mul3A_2, %dma_wait3A_11] : memref<2048x128xf32, #tpu.memory_space<hbm>> -> memref<64x128xf32, #tpu.memory_space<hbm>>
      %dma_wait3A_13 = arith.constant 0 : i32
      %dma_wait3A_14 = tpu.memref_slice %arg4[%mul3A_2, %dma_wait3A_13] : memref<2048x128xf32, #tpu.memory_space<hbm>> -> memref<64x128xf32, #tpu.memory_space<hbm>>
      tpu.wait_dma2 semaphore(%run_scoped3A : memref<!tpu.dma_semaphore, #tpu.memory_space<semaphore_mem>>) src(%arg6 : memref<64x128xf32, #tpu.memory_space<vmem>>) dst(%dma_wait3A_14 : memref<64x128xf32, #tpu.memory_space<hbm>>)
      tpu.yield
    }) : () -> ()
    return
  }
}

#map = affine_map<(d0, d1) -> (0, 0)>
#map1 = affine_map<(d0, d1) -> (0)>
module attributes {stable_mosaic.version = 14 : i64} {
  func.func @gather(%arg0: i32, %arg1: i32, %arg2: memref<8192x128xf32, #tpu.memory_space<hbm>>, %arg3: memref<2048xi32, #tpu.memory_space<hbm>>, %arg4: memref<2048x128xf32, #tpu.memory_space<hbm>>, %arg5: memref<64xi32, #tpu.memory_space<vmem>>, %arg6: memref<64x128xf32, #tpu.memory_space<vmem>>, %arg7: memref<!tpu.dma_semaphore, #tpu.memory_space<semaphore_mem>>) attributes {dimension_semantics = [#tpu.dimension_semantics<core_parallel>, #tpu.dimension_semantics<subcore_parallel>], iteration_bounds = array<i64: 2, 16>, scalar_prefetch = 0 : i64, scratch_operands = 3 : i64, tpu.core_type = #tpu.core_type<sc_vector_subcore>, window_params = [{transform_indices = #map}, {transform_indices = #map1}, {transform_indices = #map}]} {
    %mul3A = arith.constant 2 : i32
    %mul3A_0 = arith.muli %arg1, %mul3A : i32
    %add3A = arith.addi %mul3A_0, %arg0 : i32
    %mul3A_1 = arith.constant 64 : i32
    %mul3A_2 = arith.muli %add3A, %mul3A_1 : i32
    "tpu.region"() ({
      %run_scoped3A = tpu.sem_alloc : memref<!tpu.dma_semaphore, #tpu.memory_space<semaphore_mem>>
      %dma_start3A_7 = tpu.memref_slice %arg3[%mul3A_2] : memref<2048xi32, #tpu.memory_space<hbm>> -> memref<64xi32, #tpu.memory_space<hbm>>
      %dma_start3A_8 = tpu.memref_slice %arg3[%mul3A_2] : memref<2048xi32, #tpu.memory_space<hbm>> -> memref<64xi32, #tpu.memory_space<hbm>>
      tpu.enqueue_dma source(%dma_start3A_8 : memref<64xi32, #tpu.memory_space<hbm>>) target(%arg5 : memref<64xi32, #tpu.memory_space<vmem>>) target_semaphore(%run_scoped3A : memref<!tpu.dma_semaphore, #tpu.memory_space<semaphore_mem>>)
      %dma_wait3A_9 = tpu.memref_slice %arg3[%mul3A_2] : memref<2048xi32, #tpu.memory_space<hbm>> -> memref<64xi32, #tpu.memory_space<hbm>>
      %dma_wait3A_10 = tpu.memref_slice %arg3[%mul3A_2] : memref<2048xi32, #tpu.memory_space<hbm>> -> memref<64xi32, #tpu.memory_space<hbm>>
      tpu.wait_dma2 semaphore(%run_scoped3A : memref<!tpu.dma_semaphore, #tpu.memory_space<semaphore_mem>>) src(%dma_wait3A_10 : memref<64xi32, #tpu.memory_space<hbm>>) dst(%arg5 : memref<64xi32, #tpu.memory_space<vmem>>)
      tpu.yield
    }) : () -> ()
    %dma_start3A = arith.constant 0 : i32
    %dma_start3A_3 = arith.constant 0 : i32
    %dma_start3A_4 = tpu.memref_slice %arg2[%dma_start3A, %dma_start3A_3] : memref<8192x128xf32, #tpu.memory_space<hbm>> -> memref<8192x128xf32, #tpu.memory_space<hbm>>
    tpu.enqueue_indirect_dma source(%dma_start3A_4 : memref<8192x128xf32, #tpu.memory_space<hbm>>) target(%arg6 : memref<64x128xf32, #tpu.memory_space<vmem>>) offsets(%arg5 : memref<64xi32, #tpu.memory_space<vmem>>) semaphore(%arg7 : memref<!tpu.dma_semaphore, #tpu.memory_space<semaphore_mem>>)
    %dma_wait3A = arith.constant 0 : i32
    %dma_wait3A_5 = arith.constant 0 : i32
    %dma_wait3A_6 = tpu.memref_slice %arg2[%dma_wait3A, %dma_wait3A_5] : memref<8192x128xf32, #tpu.memory_space<hbm>> -> memref<8192x128xf32, #tpu.memory_space<hbm>>
    tpu.wait_indirect_dma semaphore(%arg7 : memref<!tpu.dma_semaphore, #tpu.memory_space<semaphore_mem>>) src(%dma_wait3A_6 : memref<8192x128xf32, #tpu.memory_space<hbm>>) dst(%arg6 : memref<64x128xf32, #tpu.memory_space<vmem>>)
    "tpu.region"() ({
      %run_scoped3A = tpu.sem_alloc : memref<!tpu.dma_semaphore, #tpu.memory_space<semaphore_mem>>
      %dma_start3A_7 = arith.constant 0 : i32
      %dma_start3A_8 = tpu.memref_slice %arg4[%mul3A_2, %dma_start3A_7] : memref<2048x128xf32, #tpu.memory_space<hbm>> -> memref<64x128xf32, #tpu.memory_space<hbm>>
      %dma_start3A_9 = arith.constant 0 : i32
      %dma_start3A_10 = tpu.memref_slice %arg4[%mul3A_2, %dma_start3A_9] : memref<2048x128xf32, #tpu.memory_space<hbm>> -> memref<64x128xf32, #tpu.memory_space<hbm>>
      tpu.enqueue_dma source(%arg6 : memref<64x128xf32, #tpu.memory_space<vmem>>) target(%dma_start3A_10 : memref<64x128xf32, #tpu.memory_space<hbm>>) target_semaphore(%run_scoped3A : memref<!tpu.dma_semaphore, #tpu.memory_space<semaphore_mem>>)
      %dma_wait3A_11 = arith.constant 0 : i32
      %dma_wait3A_12 = tpu.memref_slice %arg4[%mul3A_2, %dma_wait3A_11] : memref<2048x128xf32, #tpu.memory_space<hbm>> -> memref<64x128xf32, #tpu.memory_space<hbm>>
      %dma_wait3A_13 = arith.constant 0 : i32
      %dma_wait3A_14 = tpu.memref_slice %arg4[%mul3A_2, %dma_wait3A_13] : memref<2048x128xf32, #tpu.memory_space<hbm>> -> memref<64x128xf32, #tpu.memory_space<hbm>>
      tpu.wait_dma2 semaphore(%run_scoped3A : memref<!tpu.dma_semaphore, #tpu.memory_space<semaphore_mem>>) src(%arg6 : memref<64x128xf32, #tpu.memory_space<vmem>>) dst(%dma_wait3A_14 : memref<64x128xf32, #tpu.memory_space<hbm>>)
      tpu.yield
    }) : () -> ()
    return
  }
}

#map = affine_map<(d0, d1) -> (0, 0)>
#map1 = affine_map<(d0, d1) -> (0)>
module attributes {stable_mosaic.version = 14 : i64} {
  func.func @gather(%arg0: i32, %arg1: i32, %arg2: memref<8192x128xf32, #tpu.memory_space<hbm>>, %arg3: memref<2048xi32, #tpu.memory_space<hbm>>, %arg4: memref<2048x128xf32, #tpu.memory_space<hbm>>, %arg5: memref<64xi32, #tpu.memory_space<vmem>>, %arg6: memref<64x128xf32, #tpu.memory_space<vmem>>, %arg7: memref<!tpu.dma_semaphore, #tpu.memory_space<semaphore_mem>>) attributes {dimension_semantics = [#tpu.dimension_semantics<core_parallel>, #tpu.dimension_semantics<subcore_parallel>], iteration_bounds = array<i64: 2, 16>, scalar_prefetch = 0 : i64, scratch_operands = 3 : i64, tpu.core_type = #tpu.core_type<sc_vector_subcore>, window_params = [{transform_indices = #map}, {transform_indices = #map1}, {transform_indices = #map}]} {
    %mul3A = arith.constant 2 : i32
    %mul3A_0 = arith.muli %arg1, %mul3A : i32
    %add3A = arith.addi %mul3A_0, %arg0 : i32
    %mul3A_1 = arith.constant 64 : i32
    %mul3A_2 = arith.muli %add3A, %mul3A_1 : i32
    "tpu.region"() ({
      %run_scoped3A = tpu.sem_alloc : memref<!tpu.dma_semaphore, #tpu.memory_space<semaphore_mem>>
      %dma_start3A_7 = tpu.memref_slice %arg3[%mul3A_2] : memref<2048xi32, #tpu.memory_space<hbm>> -> memref<64xi32, #tpu.memory_space<hbm>>
      %dma_start3A_8 = tpu.memref_slice %arg3[%mul3A_2] : memref<2048xi32, #tpu.memory_space<hbm>> -> memref<64xi32, #tpu.memory_space<hbm>>
      tpu.enqueue_dma source(%dma_start3A_8 : memref<64xi32, #tpu.memory_space<hbm>>) target(%arg5 : memref<64xi32, #tpu.memory_space<vmem>>) target_semaphore(%run_scoped3A : memref<!tpu.dma_semaphore, #tpu.memory_space<semaphore_mem>>)
      %dma_wait3A_9 = tpu.memref_slice %arg3[%mul3A_2] : memref<2048xi32, #tpu.memory_space<hbm>> -> memref<64xi32, #tpu.memory_space<hbm>>
      %dma_wait3A_10 = tpu.memref_slice %arg3[%mul3A_2] : memref<2048xi32, #tpu.memory_space<hbm>> -> memref<64xi32, #tpu.memory_space<hbm>>
      tpu.wait_dma2 semaphore(%run_scoped3A : memref<!tpu.dma_semaphore, #tpu.memory_space<semaphore_mem>>) src(%dma_wait3A_10 : memref<64xi32, #tpu.memory_space<hbm>>) dst(%arg5 : memref<64xi32, #tpu.memory_space<vmem>>)
      tpu.yield
    }) : () -> ()
    %dma_start3A = arith.constant 0 : i32
    %dma_start3A_3 = arith.constant 0 : i32
    %dma_start3A_4 = tpu.memref_slice %arg2[%dma_start3A, %dma_start3A_3] : memref<8192x128xf32, #tpu.memory_space<hbm>> -> memref<8192x128xf32, #tpu.memory_space<hbm>>
    tpu.enqueue_indirect_dma source(%dma_start3A_4 : memref<8192x128xf32, #tpu.memory_space<hbm>>) target(%arg6 : memref<64x128xf32, #tpu.memory_space<vmem>>) offsets(%arg5 : memref<64xi32, #tpu.memory_space<vmem>>) semaphore(%arg7 : memref<!tpu.dma_semaphore, #tpu.memory_space<semaphore_mem>>)
    %dma_wait3A = arith.constant 0 : i32
    %dma_wait3A_5 = arith.constant 0 : i32
    %dma_wait3A_6 = tpu.memref_slice %arg2[%dma_wait3A, %dma_wait3A_5] : memref<8192x128xf32, #tpu.memory_space<hbm>> -> memref<8192x128xf32, #tpu.memory_space<hbm>>
    tpu.wait_indirect_dma semaphore(%arg7 : memref<!tpu.dma_semaphore, #tpu.memory_space<semaphore_mem>>) src(%dma_wait3A_6 : memref<8192x128xf32, #tpu.memory_space<hbm>>) dst(%arg6 : memref<64x128xf32, #tpu.memory_space<vmem>>)
    "tpu.region"() ({
      %run_scoped3A = tpu.sem_alloc : memref<!tpu.dma_semaphore, #tpu.memory_space<semaphore_mem>>
      %dma_start3A_7 = arith.constant 0 : i32
      %dma_start3A_8 = tpu.memref_slice %arg4[%mul3A_2, %dma_start3A_7] : memref<2048x128xf32, #tpu.memory_space<hbm>> -> memref<64x128xf32, #tpu.memory_space<hbm>>
      %dma_start3A_9 = arith.constant 0 : i32
      %dma_start3A_10 = tpu.memref_slice %arg4[%mul3A_2, %dma_start3A_9] : memref<2048x128xf32, #tpu.memory_space<hbm>> -> memref<64x128xf32, #tpu.memory_space<hbm>>
      tpu.enqueue_dma source(%arg6 : memref<64x128xf32, #tpu.memory_space<vmem>>) target(%dma_start3A_10 : memref<64x128xf32, #tpu.memory_space<hbm>>) target_semaphore(%run_scoped3A : memref<!tpu.dma_semaphore, #tpu.memory_space<semaphore_mem>>)
      %dma_wait3A_11 = arith.constant 0 : i32
      %dma_wait3A_12 = tpu.memref_slice %arg4[%mul3A_2, %dma_wait3A_11] : memref<2048x128xf32, #tpu.memory_space<hbm>> -> memref<64x128xf32, #tpu.memory_space<hbm>>
      %dma_wait3A_13 = arith.constant 0 : i32
      %dma_wait3A_14 = tpu.memref_slice %arg4[%mul3A_2, %dma_wait3A_13] : memref<2048x128xf32, #tpu.memory_space<hbm>> -> memref<64x128xf32, #tpu.memory_space<hbm>>
      tpu.wait_dma2 semaphore(%run_scoped3A : memref<!tpu.dma_semaphore, #tpu.memory_space<semaphore_mem>>) src(%arg6 : memref<64x128xf32, #tpu.memory_space<vmem>>) dst(%dma_wait3A_14 : memref<64x128xf32, #tpu.memory_space<hbm>>)
      tpu.yield
    }) : () -> ()
    return
  }
}

module attributes {stable_mosaic.version = 14 : i64} {
  func.func @_encode_kernel(%arg0: i32, %arg1: memref<512x768xf32, #tpu.memory_space<vmem>>, %arg2: memref<768x512xf32, #tpu.memory_space<vmem>>, %arg3: memref<1x512xf32, #tpu.memory_space<vmem>>, %arg4: memref<512x128xf32, #tpu.memory_space<vmem>>, %arg5: memref<1x128xf32, #tpu.memory_space<vmem>>, %arg6: memref<128x32xf32, #tpu.memory_space<vmem>>, %arg7: memref<1x32xf32, #tpu.memory_space<vmem>>, %arg8: memref<32x8192xf32, #tpu.memory_space<vmem>>, %arg9: memref<512x32xf32, #tpu.memory_space<vmem>>, %arg10: memref<512x1xi32, #tpu.memory_space<vmem>>) attributes {dimension_semantics = [#tpu.dimension_semantics<arbitrary>], iteration_bounds = array<i64: 4>, scalar_prefetch = 0 : i64, scratch_operands = 0 : i64, tpu.core_type = #tpu.core_type<tc>, window_params = [{transform_indices = @transform_0, window_bounds = array<i64: 512, 768>}, {pipeline_mode = #tpu.pipeline_mode<synchronous>, transform_indices = @transform_1, window_bounds = array<i64: 768, 512>}, {pipeline_mode = #tpu.pipeline_mode<synchronous>, transform_indices = @transform_2, window_bounds = array<i64: 1, 512>}, {pipeline_mode = #tpu.pipeline_mode<synchronous>, transform_indices = @transform_3, window_bounds = array<i64: 512, 128>}, {pipeline_mode = #tpu.pipeline_mode<synchronous>, transform_indices = @transform_4, window_bounds = array<i64: 1, 128>}, {pipeline_mode = #tpu.pipeline_mode<synchronous>, transform_indices = @transform_5, window_bounds = array<i64: 128, 32>}, {pipeline_mode = #tpu.pipeline_mode<synchronous>, transform_indices = @transform_6, window_bounds = array<i64: 1, 32>}, {pipeline_mode = #tpu.pipeline_mode<synchronous>, transform_indices = @transform_7, window_bounds = array<i64: 32, 8192>}, {transform_indices = @transform_8, window_bounds = array<i64: 512, 32>}, {transform_indices = @transform_9, window_bounds = array<i64: 512, 1>}]} {
    %get3A = arith.constant 0 : index
    %get3A_0 = arith.constant 0 : index
    %get3A_1 = vector.load %arg1[%get3A, %get3A_0] : memref<512x768xf32, #tpu.memory_space<vmem>>, vector<512x768xf32>
    %get3A_2 = arith.constant 0 : index
    %get3A_3 = arith.constant 0 : index
    %get3A_4 = vector.load %arg2[%get3A_2, %get3A_3] : memref<768x512xf32, #tpu.memory_space<vmem>>, vector<768x512xf32>
    %dot_general3A = arith.constant dense<0.000000e+00> : vector<512x512xf32>
    %dot_general3A_5 = tpu.matmul %get3A_1, %get3A_4, %dot_general3A {dimension_numbers = #tpu.dot_dimension_numbers<[1], [0], [0], [1], [0, 0, 1, 1], [], []>, transpose_lhs_hint = false} : vector<512x768xf32>, vector<768x512xf32>, vector<512x512xf32> -> vector<512x512xf32>
    %get3A_6 = arith.constant 0 : index
    %get3A_7 = arith.constant 0 : index
    %get3A_8 = vector.load %arg3[%get3A_6, %get3A_7] : memref<1x512xf32, #tpu.memory_space<vmem>>, vector<1x512xf32>
    %add3A = vector.broadcast %get3A_8 : vector<1x512xf32> to vector<512x512xf32>
    %add3A_9 = arith.addf %dot_general3A_5, %add3A : vector<512x512xf32>
    %max3A = arith.constant 0.000000e+00 : f32
    %max3A_10 = vector.broadcast %max3A : f32 to vector<512x512xf32>
    %max3A_11 = arith.maximumf %add3A_9, %max3A_10 : vector<512x512xf32>
    %get3A_12 = arith.constant 0 : index
    %get3A_13 = arith.constant 0 : index
    %get3A_14 = vector.load %arg4[%get3A_12, %get3A_13] : memref<512x128xf32, #tpu.memory_space<vmem>>, vector<512x128xf32>
    %dot_general3A_15 = arith.constant dense<0.000000e+00> : vector<512x128xf32>
    %dot_general3A_16 = tpu.matmul %max3A_11, %get3A_14, %dot_general3A_15 {dimension_numbers = #tpu.dot_dimension_numbers<[1], [0], [0], [1], [0, 0, 1, 1], [], []>, transpose_lhs_hint = false} : vector<512x512xf32>, vector<512x128xf32>, vector<512x128xf32> -> vector<512x128xf32>
    %get3A_17 = arith.constant 0 : index
    %get3A_18 = arith.constant 0 : index
    %get3A_19 = vector.load %arg5[%get3A_17, %get3A_18] : memref<1x128xf32, #tpu.memory_space<vmem>>, vector<1x128xf32>
    %add3A_20 = vector.broadcast %get3A_19 : vector<1x128xf32> to vector<512x128xf32>
    %add3A_21 = arith.addf %dot_general3A_16, %add3A_20 : vector<512x128xf32>
    %max3A_22 = arith.constant 0.000000e+00 : f32
    %max3A_23 = vector.broadcast %max3A_22 : f32 to vector<512x128xf32>
    %max3A_24 = arith.maximumf %add3A_21, %max3A_23 : vector<512x128xf32>
    %get3A_25 = arith.constant 0 : index
    %get3A_26 = arith.constant 0 : index
    %get3A_27 = vector.load %arg6[%get3A_25, %get3A_26] : memref<128x32xf32, #tpu.memory_space<vmem>>, vector<128x32xf32>
    %dot_general3A_28 = arith.constant dense<0.000000e+00> : vector<512x32xf32>
    %dot_general3A_29 = tpu.matmul %max3A_24, %get3A_27, %dot_general3A_28 {dimension_numbers = #tpu.dot_dimension_numbers<[1], [0], [0], [1], [0, 0, 1, 1], [], []>, transpose_lhs_hint = false} : vector<512x128xf32>, vector<128x32xf32>, vector<512x32xf32> -> vector<512x32xf32>
    %get3A_30 = arith.constant 0 : index
    %get3A_31 = arith.constant 0 : index
    %get3A_32 = vector.load %arg7[%get3A_30, %get3A_31] : memref<1x32xf32, #tpu.memory_space<vmem>>, vector<1x32xf32>
    %add3A_33 = vector.broadcast %get3A_32 : vector<1x32xf32> to vector<512x32xf32>
    %add3A_34 = arith.addf %dot_general3A_29, %add3A_33 : vector<512x32xf32>
    %swap3A = arith.constant 0 : index
    %swap3A_35 = arith.constant 0 : index
    %swap3A_36 = vector.load %arg9[%swap3A, %swap3A_35] : memref<512x32xf32, #tpu.memory_space<vmem>>, vector<512x32xf32>
    tpu.vector_store %arg9[%swap3A, %swap3A_35], %add3A_34 {strides = array<i32>} : memref<512x32xf32, #tpu.memory_space<vmem>>, vector<512x32xf32>,
    %get3A_37 = arith.constant 0 : index
    %get3A_38 = arith.constant 0 : index
    %get3A_39 = vector.load %arg8[%get3A_37, %get3A_38] : memref<32x8192xf32, #tpu.memory_space<vmem>>, vector<32x8192xf32>
    %mul3A = arith.mulf %get3A_39, %get3A_39 : vector<32x8192xf32>
    %reduce_sum3A = arith.constant dense<0.000000e+00> : vector<8192xf32>
    %reduce_sum3A_40 = vector.multi_reduction <add>, %mul3A, %reduce_sum3A [0] : vector<32x8192xf32> to vector<8192xf32>
    %broadcast_in_dim3A = vector.shape_cast %reduce_sum3A_40 : vector<8192xf32> to vector<1x8192xf32>
    %mul3A_41 = arith.constant -2.000000e+00 : f32
    %mul3A_42 = vector.broadcast %mul3A_41 : f32 to vector<512x32xf32>
    %mul3A_43 = arith.mulf %mul3A_42, %add3A_34 : vector<512x32xf32>
    %dot_general3A_44 = arith.constant dense<0.000000e+00> : vector<512x8192xf32>
    %dot_general3A_45 = tpu.matmul %mul3A_43, %get3A_39, %dot_general3A_44 {dimension_numbers = #tpu.dot_dimension_numbers<[1], [0], [0], [1], [0, 0, 1, 1], [], []>, transpose_lhs_hint = false} : vector<512x32xf32>, vector<32x8192xf32>, vector<512x8192xf32> -> vector<512x8192xf32>
    %add3A_46 = vector.broadcast %broadcast_in_dim3A : vector<1x8192xf32> to vector<512x8192xf32>
    %add3A_47 = arith.addf %add3A_46, %dot_general3A_45 : vector<512x8192xf32>
    %argmin3A = tpu.reduce_index %add3A_47 {axis = 1 : i32, kind = #tpu.reduction_kind<arg_min>} : vector<512x8192xf32> -> vector<512xi32>
    %broadcast_in_dim3A_48 = vector.shape_cast %argmin3A : vector<512xi32> to vector<512x1xi32>
    %swap3A_49 = arith.constant 0 : index
    %swap3A_50 = arith.constant 0 : index
    %swap3A_51 = vector.load %arg10[%swap3A_49, %swap3A_50] : memref<512x1xi32, #tpu.memory_space<vmem>>, vector<512x1xi32>
    tpu.vector_store %arg10[%swap3A_49, %swap3A_50], %broadcast_in_dim3A_48 {strides = array<i32>} : memref<512x1xi32, #tpu.memory_space<vmem>>, vector<512x1xi32>,
    return
  }
  func.func @transform_0(%arg0: i32) -> (i32, i32) {
    %c0_i32 = arith.constant 0 : i32
    %c0_i32_0 = arith.constant 0 : i32
    return %arg0, %c0_i32 : i32, i32
  }
  func.func @transform_1(%arg0: i32) -> (i32, i32) {
    %c0_i32 = arith.constant 0 : i32
    %c0_i32_0 = arith.constant 0 : i32
    %c0_i32_1 = arith.constant 0 : i32
    return %c0_i32, %c0_i32_0 : i32, i32
  }
  func.func @transform_2(%arg0: i32) -> (i32, i32) {
    %c0_i32 = arith.constant 0 : i32
    %c0_i32_0 = arith.constant 0 : i32
    %c0_i32_1 = arith.constant 0 : i32
    return %c0_i32, %c0_i32_0 : i32, i32
  }
  func.func @transform_3(%arg0: i32) -> (i32, i32) {
    %c0_i32 = arith.constant 0 : i32
    %c0_i32_0 = arith.constant 0 : i32
    %c0_i32_1 = arith.constant 0 : i32
    return %c0_i32, %c0_i32_0 : i32, i32
  }
  func.func @transform_4(%arg0: i32) -> (i32, i32) {
    %c0_i32 = arith.constant 0 : i32
    %c0_i32_0 = arith.constant 0 : i32
    %c0_i32_1 = arith.constant 0 : i32
    return %c0_i32, %c0_i32_0 : i32, i32
  }
  func.func @transform_5(%arg0: i32) -> (i32, i32) {
    %c0_i32 = arith.constant 0 : i32
    %c0_i32_0 = arith.constant 0 : i32
    %c0_i32_1 = arith.constant 0 : i32
    return %c0_i32, %c0_i32_0 : i32, i32
  }
  func.func @transform_6(%arg0: i32) -> (i32, i32) {
    %c0_i32 = arith.constant 0 : i32
    %c0_i32_0 = arith.constant 0 : i32
    %c0_i32_1 = arith.constant 0 : i32
    return %c0_i32, %c0_i32_0 : i32, i32
  }
  func.func @transform_7(%arg0: i32) -> (i32, i32) {
    %c0_i32 = arith.constant 0 : i32
    %c0_i32_0 = arith.constant 0 : i32
    %c0_i32_1 = arith.constant 0 : i32
    return %c0_i32, %c0_i32_0 : i32, i32
  }
  func.func @transform_8(%arg0: i32) -> (i32, i32) {
    %c0_i32 = arith.constant 0 : i32
    %c0_i32_0 = arith.constant 0 : i32
    return %arg0, %c0_i32 : i32, i32
  }
  func.func @transform_9(%arg0: i32) -> (i32, i32) {
    %c0_i32 = arith.constant 0 : i32
    %c0_i32_0 = arith.constant 0 : i32
    return %arg0, %c0_i32 : i32, i32
  }
}

module attributes {stable_mosaic.version = 14 : i64} {
  func.func @_step_kernel(%arg0: i32, %arg1: memref<512x32xf32, #tpu.memory_space<vmem>>, %arg2: memref<512x32xf32, #tpu.memory_space<vmem>>, %arg3: memref<512x32xf32, #tpu.memory_space<vmem>>, %arg4: memref<32x8192xf32, #tpu.memory_space<vmem>>, %arg5: memref<512x32xf32, #tpu.memory_space<vmem>>, %arg6: memref<512x32xf32, #tpu.memory_space<vmem>>, %arg7: memref<512x1xi32, #tpu.memory_space<vmem>>, %arg8: memref<1x128xf32, #tpu.memory_space<vmem>>) attributes {dimension_semantics = [#tpu.dimension_semantics<arbitrary>], iteration_bounds = array<i64: 4>, scalar_prefetch = 0 : i64, scratch_operands = 0 : i64, tpu.core_type = #tpu.core_type<tc>, window_params = [{transform_indices = @transform_0, window_bounds = array<i64: 512, 32>}, {transform_indices = @transform_1, window_bounds = array<i64: 512, 32>}, {transform_indices = @transform_2, window_bounds = array<i64: 512, 32>}, {pipeline_mode = #tpu.pipeline_mode<synchronous>, transform_indices = @transform_3, window_bounds = array<i64: 32, 8192>}, {transform_indices = @transform_4, window_bounds = array<i64: 512, 32>}, {transform_indices = @transform_5, window_bounds = array<i64: 512, 32>}, {transform_indices = @transform_6, window_bounds = array<i64: 512, 1>}, {pipeline_mode = #tpu.pipeline_mode<synchronous>, transform_indices = @transform_7, window_bounds = array<i64: 1, 128>}]} {
    %eq3A = arith.constant 0 : i32
    %eq3A_0 = arith.cmpi eq, %arg0, %eq3A : i32
    %convert_element_type3A = arith.extui %eq3A_0 : i1 to i32
    %cond3A = arith.constant 0 : i32
    %cond3A_1 = arith.cmpi ne, %convert_element_type3A, %cond3A : i32
    scf.if %cond3A_1 {
      %broadcast_in_dim3A_45 = arith.constant 0.000000e+00 : f32
      %broadcast_in_dim3A_46 = vector.broadcast %broadcast_in_dim3A_45 : f32 to vector<1x128xf32>
      %swap3A_47 = arith.constant 0 : index
      %swap3A_48 = arith.constant 0 : index
      %swap3A_49 = vector.load %arg8[%swap3A_47, %swap3A_48] : memref<1x128xf32, #tpu.memory_space<vmem>>, vector<1x128xf32>
      tpu.vector_store %arg8[%swap3A_47, %swap3A_48], %broadcast_in_dim3A_46 {strides = array<i32>} : memref<1x128xf32, #tpu.memory_space<vmem>>, vector<1x128xf32>,
    } else {
    }
    %get3A = arith.constant 0 : index
    %get3A_2 = arith.constant 0 : index
    %get3A_3 = vector.load %arg1[%get3A, %get3A_2] : memref<512x32xf32, #tpu.memory_space<vmem>>, vector<512x32xf32>
    %get3A_4 = arith.constant 0 : index
    %get3A_5 = arith.constant 0 : index
    %get3A_6 = vector.load %arg2[%get3A_4, %get3A_5] : memref<512x32xf32, #tpu.memory_space<vmem>>, vector<512x32xf32>
    %sub3A = arith.subf %get3A_6, %get3A_3 : vector<512x32xf32>
    %get3A_7 = arith.constant 0 : index
    %get3A_8 = arith.constant 0 : index
    %get3A_9 = vector.load %arg8[%get3A_7, %get3A_8] : memref<1x128xf32, #tpu.memory_space<vmem>>, vector<1x128xf32>
    %mul3A = arith.mulf %sub3A, %sub3A : vector<512x32xf32>
    %reduce_sum3A = vector.shape_cast %mul3A : vector<512x32xf32> to vector<1x512x32xf32>
    %reduce_sum3A_10 = arith.constant dense<0.000000e+00> : vector<1xf32>
    %reduce_sum3A_11 = vector.multi_reduction <add>, %reduce_sum3A, %reduce_sum3A_10 [1, 2] : vector<1x512x32xf32> to vector<1xf32>
    %reduce_sum3A_12 = vector.shape_cast %reduce_sum3A_11 : vector<1xf32> to vector<1x1x1xf32>
    %reduce_sum3A_13 = vector.extract %reduce_sum3A_12[0, 0, 0] : f32 from vector<1x1x1xf32>
    %add3A = vector.broadcast %reduce_sum3A_13 : f32 to vector<1x128xf32>
    %add3A_14 = arith.addf %get3A_9, %add3A : vector<1x128xf32>
    %swap3A = arith.constant 0 : index
    %swap3A_15 = arith.constant 0 : index
    %swap3A_16 = vector.load %arg8[%swap3A, %swap3A_15] : memref<1x128xf32, #tpu.memory_space<vmem>>, vector<1x128xf32>
    tpu.vector_store %arg8[%swap3A, %swap3A_15], %add3A_14 {strides = array<i32>} : memref<1x128xf32, #tpu.memory_space<vmem>>, vector<1x128xf32>,
    %add3A_17 = arith.addf %get3A_3, %sub3A : vector<512x32xf32>
    %get3A_18 = arith.constant 0 : index
    %get3A_19 = arith.constant 0 : index
    %get3A_20 = vector.load %arg3[%get3A_18, %get3A_19] : memref<512x32xf32, #tpu.memory_space<vmem>>, vector<512x32xf32>
    %add3A_21 = arith.addf %get3A_20, %add3A_17 : vector<512x32xf32>
    %swap3A_22 = arith.constant 0 : index
    %swap3A_23 = arith.constant 0 : index
    %swap3A_24 = vector.load %arg6[%swap3A_22, %swap3A_23] : memref<512x32xf32, #tpu.memory_space<vmem>>, vector<512x32xf32>
    tpu.vector_store %arg6[%swap3A_22, %swap3A_23], %add3A_21 {strides = array<i32>} : memref<512x32xf32, #tpu.memory_space<vmem>>, vector<512x32xf32>,
    %sub3A_25 = arith.subf %get3A_3, %add3A_17 : vector<512x32xf32>
    %swap3A_26 = arith.constant 0 : index
    %swap3A_27 = arith.constant 0 : index
    %swap3A_28 = vector.load %arg5[%swap3A_26, %swap3A_27] : memref<512x32xf32, #tpu.memory_space<vmem>>, vector<512x32xf32>
    tpu.vector_store %arg5[%swap3A_26, %swap3A_27], %sub3A_25 {strides = array<i32>} : memref<512x32xf32, #tpu.memory_space<vmem>>, vector<512x32xf32>,
    %get3A_29 = arith.constant 0 : index
    %get3A_30 = arith.constant 0 : index
    %get3A_31 = vector.load %arg4[%get3A_29, %get3A_30] : memref<32x8192xf32, #tpu.memory_space<vmem>>, vector<32x8192xf32>
    %mul3A_32 = arith.mulf %get3A_31, %get3A_31 : vector<32x8192xf32>
    %reduce_sum3A_33 = arith.constant dense<0.000000e+00> : vector<8192xf32>
    %reduce_sum3A_34 = vector.multi_reduction <add>, %mul3A_32, %reduce_sum3A_33 [0] : vector<32x8192xf32> to vector<8192xf32>
    %broadcast_in_dim3A = vector.shape_cast %reduce_sum3A_34 : vector<8192xf32> to vector<1x8192xf32>
    %mul3A_35 = arith.constant -2.000000e+00 : f32
    %mul3A_36 = vector.broadcast %mul3A_35 : f32 to vector<512x32xf32>
    %mul3A_37 = arith.mulf %mul3A_36, %sub3A_25 : vector<512x32xf32>
    %dot_general3A = arith.constant dense<0.000000e+00> : vector<512x8192xf32>
    %dot_general3A_38 = tpu.matmul %mul3A_37, %get3A_31, %dot_general3A {dimension_numbers = #tpu.dot_dimension_numbers<[1], [0], [0], [1], [0, 0, 1, 1], [], []>, transpose_lhs_hint = false} : vector<512x32xf32>, vector<32x8192xf32>, vector<512x8192xf32> -> vector<512x8192xf32>
    %add3A_39 = vector.broadcast %broadcast_in_dim3A : vector<1x8192xf32> to vector<512x8192xf32>
    %add3A_40 = arith.addf %add3A_39, %dot_general3A_38 : vector<512x8192xf32>
    %argmin3A = tpu.reduce_index %add3A_40 {axis = 1 : i32, kind = #tpu.reduction_kind<arg_min>} : vector<512x8192xf32> -> vector<512xi32>
    %broadcast_in_dim3A_41 = vector.shape_cast %argmin3A : vector<512xi32> to vector<512x1xi32>
    %swap3A_42 = arith.constant 0 : index
    %swap3A_43 = arith.constant 0 : index
    %swap3A_44 = vector.load %arg7[%swap3A_42, %swap3A_43] : memref<512x1xi32, #tpu.memory_space<vmem>>, vector<512x1xi32>
    tpu.vector_store %arg7[%swap3A_42, %swap3A_43], %broadcast_in_dim3A_41 {strides = array<i32>} : memref<512x1xi32, #tpu.memory_space<vmem>>, vector<512x1xi32>,
    return
  }
  func.func @transform_0(%arg0: i32) -> (i32, i32) {
    %c0_i32 = arith.constant 0 : i32
    %c0_i32_0 = arith.constant 0 : i32
    return %arg0, %c0_i32 : i32, i32
  }
  func.func @transform_1(%arg0: i32) -> (i32, i32) {
    %c0_i32 = arith.constant 0 : i32
    %c0_i32_0 = arith.constant 0 : i32
    return %arg0, %c0_i32 : i32, i32
  }
  func.func @transform_2(%arg0: i32) -> (i32, i32) {
    %c0_i32 = arith.constant 0 : i32
    %c0_i32_0 = arith.constant 0 : i32
    return %arg0, %c0_i32 : i32, i32
  }
  func.func @transform_3(%arg0: i32) -> (i32, i32) {
    %c0_i32 = arith.constant 0 : i32
    %c0_i32_0 = arith.constant 0 : i32
    %c0_i32_1 = arith.constant 0 : i32
    return %c0_i32, %c0_i32_0 : i32, i32
  }
  func.func @transform_4(%arg0: i32) -> (i32, i32) {
    %c0_i32 = arith.constant 0 : i32
    %c0_i32_0 = arith.constant 0 : i32
    return %arg0, %c0_i32 : i32, i32
  }
  func.func @transform_5(%arg0: i32) -> (i32, i32) {
    %c0_i32 = arith.constant 0 : i32
    %c0_i32_0 = arith.constant 0 : i32
    return %arg0, %c0_i32 : i32, i32
  }
  func.func @transform_6(%arg0: i32) -> (i32, i32) {
    %c0_i32 = arith.constant 0 : i32
    %c0_i32_0 = arith.constant 0 : i32
    return %arg0, %c0_i32 : i32, i32
  }
  func.func @transform_7(%arg0: i32) -> (i32, i32) {
    %c0_i32 = arith.constant 0 : i32
    %c0_i32_0 = arith.constant 0 : i32
    %c0_i32_1 = arith.constant 0 : i32
    return %c0_i32, %c0_i32_0 : i32, i32
  }
}

module attributes {stable_mosaic.version = 14 : i64} {
  func.func @_decode_kernel(%arg0: i32, %arg1: memref<512x32xf32, #tpu.memory_space<vmem>>, %arg2: memref<512x32xf32, #tpu.memory_space<vmem>>, %arg3: memref<512x32xf32, #tpu.memory_space<vmem>>, %arg4: memref<32x128xf32, #tpu.memory_space<vmem>>, %arg5: memref<1x128xf32, #tpu.memory_space<vmem>>, %arg6: memref<128x512xf32, #tpu.memory_space<vmem>>, %arg7: memref<1x512xf32, #tpu.memory_space<vmem>>, %arg8: memref<512x768xf32, #tpu.memory_space<vmem>>, %arg9: memref<1x768xf32, #tpu.memory_space<vmem>>, %arg10: memref<512x768xf32, #tpu.memory_space<vmem>>, %arg11: memref<1x128xf32, #tpu.memory_space<vmem>>) attributes {dimension_semantics = [#tpu.dimension_semantics<arbitrary>], iteration_bounds = array<i64: 4>, scalar_prefetch = 0 : i64, scratch_operands = 0 : i64, tpu.core_type = #tpu.core_type<tc>, window_params = [{transform_indices = @transform_0, window_bounds = array<i64: 512, 32>}, {transform_indices = @transform_1, window_bounds = array<i64: 512, 32>}, {transform_indices = @transform_2, window_bounds = array<i64: 512, 32>}, {pipeline_mode = #tpu.pipeline_mode<synchronous>, transform_indices = @transform_3, window_bounds = array<i64: 32, 128>}, {pipeline_mode = #tpu.pipeline_mode<synchronous>, transform_indices = @transform_4, window_bounds = array<i64: 1, 128>}, {pipeline_mode = #tpu.pipeline_mode<synchronous>, transform_indices = @transform_5, window_bounds = array<i64: 128, 512>}, {pipeline_mode = #tpu.pipeline_mode<synchronous>, transform_indices = @transform_6, window_bounds = array<i64: 1, 512>}, {pipeline_mode = #tpu.pipeline_mode<synchronous>, transform_indices = @transform_7, window_bounds = array<i64: 512, 768>}, {pipeline_mode = #tpu.pipeline_mode<synchronous>, transform_indices = @transform_8, window_bounds = array<i64: 1, 768>}, {transform_indices = @transform_9, window_bounds = array<i64: 512, 768>}, {pipeline_mode = #tpu.pipeline_mode<synchronous>, transform_indices = @transform_10, window_bounds = array<i64: 1, 128>}]} {
    %eq3A = arith.constant 0 : i32
    %eq3A_0 = arith.cmpi eq, %arg0, %eq3A : i32
    %convert_element_type3A = arith.extui %eq3A_0 : i1 to i32
    %cond3A = arith.constant 0 : i32
    %cond3A_1 = arith.cmpi ne, %convert_element_type3A, %cond3A : i32
    scf.if %cond3A_1 {
      %broadcast_in_dim3A = arith.constant 0.000000e+00 : f32
      %broadcast_in_dim3A_59 = vector.broadcast %broadcast_in_dim3A : f32 to vector<1x128xf32>
      %swap3A_60 = arith.constant 0 : index
      %swap3A_61 = arith.constant 0 : index
      %swap3A_62 = vector.load %arg11[%swap3A_60, %swap3A_61] : memref<1x128xf32, #tpu.memory_space<vmem>>, vector<1x128xf32>
      tpu.vector_store %arg11[%swap3A_60, %swap3A_61], %broadcast_in_dim3A_59 {strides = array<i32>} : memref<1x128xf32, #tpu.memory_space<vmem>>, vector<1x128xf32>,
    } else {
    }
    %get3A = arith.constant 0 : index
    %get3A_2 = arith.constant 0 : index
    %get3A_3 = vector.load %arg1[%get3A, %get3A_2] : memref<512x32xf32, #tpu.memory_space<vmem>>, vector<512x32xf32>
    %get3A_4 = arith.constant 0 : index
    %get3A_5 = arith.constant 0 : index
    %get3A_6 = vector.load %arg2[%get3A_4, %get3A_5] : memref<512x32xf32, #tpu.memory_space<vmem>>, vector<512x32xf32>
    %sub3A = arith.subf %get3A_6, %get3A_3 : vector<512x32xf32>
    %get3A_7 = arith.constant 0 : index
    %get3A_8 = arith.constant 0 : index
    %get3A_9 = vector.load %arg11[%get3A_7, %get3A_8] : memref<1x128xf32, #tpu.memory_space<vmem>>, vector<1x128xf32>
    %mul3A = arith.mulf %sub3A, %sub3A : vector<512x32xf32>
    %reduce_sum3A = vector.shape_cast %mul3A : vector<512x32xf32> to vector<1x512x32xf32>
    %reduce_sum3A_10 = arith.constant dense<0.000000e+00> : vector<1xf32>
    %reduce_sum3A_11 = vector.multi_reduction <add>, %reduce_sum3A, %reduce_sum3A_10 [1, 2] : vector<1x512x32xf32> to vector<1xf32>
    %reduce_sum3A_12 = vector.shape_cast %reduce_sum3A_11 : vector<1xf32> to vector<1x1x1xf32>
    %reduce_sum3A_13 = vector.extract %reduce_sum3A_12[0, 0, 0] : f32 from vector<1x1x1xf32>
    %add3A = vector.broadcast %reduce_sum3A_13 : f32 to vector<1x128xf32>
    %add3A_14 = arith.addf %get3A_9, %add3A : vector<1x128xf32>
    %swap3A = arith.constant 0 : index
    %swap3A_15 = arith.constant 0 : index
    %swap3A_16 = vector.load %arg11[%swap3A, %swap3A_15] : memref<1x128xf32, #tpu.memory_space<vmem>>, vector<1x128xf32>
    tpu.vector_store %arg11[%swap3A, %swap3A_15], %add3A_14 {strides = array<i32>} : memref<1x128xf32, #tpu.memory_space<vmem>>, vector<1x128xf32>,
    %get3A_17 = arith.constant 0 : index
    %get3A_18 = arith.constant 0 : index
    %get3A_19 = vector.load %arg3[%get3A_17, %get3A_18] : memref<512x32xf32, #tpu.memory_space<vmem>>, vector<512x32xf32>
    %add3A_20 = arith.addf %get3A_3, %sub3A : vector<512x32xf32>
    %add3A_21 = arith.addf %get3A_19, %add3A_20 : vector<512x32xf32>
    %get3A_22 = arith.constant 0 : index
    %get3A_23 = arith.constant 0 : index
    %get3A_24 = vector.load %arg4[%get3A_22, %get3A_23] : memref<32x128xf32, #tpu.memory_space<vmem>>, vector<32x128xf32>
    %dot_general3A = arith.constant dense<0.000000e+00> : vector<512x128xf32>
    %dot_general3A_25 = tpu.matmul %add3A_21, %get3A_24, %dot_general3A {dimension_numbers = #tpu.dot_dimension_numbers<[1], [0], [0], [1], [0, 0, 1, 1], [], []>, transpose_lhs_hint = false} : vector<512x32xf32>, vector<32x128xf32>, vector<512x128xf32> -> vector<512x128xf32>
    %get3A_26 = arith.constant 0 : index
    %get3A_27 = arith.constant 0 : index
    %get3A_28 = vector.load %arg5[%get3A_26, %get3A_27] : memref<1x128xf32, #tpu.memory_space<vmem>>, vector<1x128xf32>
    %add3A_29 = vector.broadcast %get3A_28 : vector<1x128xf32> to vector<512x128xf32>
    %add3A_30 = arith.addf %dot_general3A_25, %add3A_29 : vector<512x128xf32>
    %max3A = arith.constant 0.000000e+00 : f32
    %max3A_31 = vector.broadcast %max3A : f32 to vector<512x128xf32>
    %max3A_32 = arith.maximumf %add3A_30, %max3A_31 : vector<512x128xf32>
    %get3A_33 = arith.constant 0 : index
    %get3A_34 = arith.constant 0 : index
    %get3A_35 = vector.load %arg6[%get3A_33, %get3A_34] : memref<128x512xf32, #tpu.memory_space<vmem>>, vector<128x512xf32>
    %dot_general3A_36 = arith.constant dense<0.000000e+00> : vector<512x512xf32>
    %dot_general3A_37 = tpu.matmul %max3A_32, %get3A_35, %dot_general3A_36 {dimension_numbers = #tpu.dot_dimension_numbers<[1], [0], [0], [1], [0, 0, 1, 1], [], []>, transpose_lhs_hint = false} : vector<512x128xf32>, vector<128x512xf32>, vector<512x512xf32> -> vector<512x512xf32>
    %get3A_38 = arith.constant 0 : index
    %get3A_39 = arith.constant 0 : index
    %get3A_40 = vector.load %arg7[%get3A_38, %get3A_39] : memref<1x512xf32, #tpu.memory_space<vmem>>, vector<1x512xf32>
    %add3A_41 = vector.broadcast %get3A_40 : vector<1x512xf32> to vector<512x512xf32>
    %add3A_42 = arith.addf %dot_general3A_37, %add3A_41 : vector<512x512xf32>
    %max3A_43 = arith.constant 0.000000e+00 : f32
    %max3A_44 = vector.broadcast %max3A_43 : f32 to vector<512x512xf32>
    %max3A_45 = arith.maximumf %add3A_42, %max3A_44 : vector<512x512xf32>
    %get3A_46 = arith.constant 0 : index
    %get3A_47 = arith.constant 0 : index
    %get3A_48 = vector.load %arg8[%get3A_46, %get3A_47] : memref<512x768xf32, #tpu.memory_space<vmem>>, vector<512x768xf32>
    %dot_general3A_49 = arith.constant dense<0.000000e+00> : vector<512x768xf32>
    %dot_general3A_50 = tpu.matmul %max3A_45, %get3A_48, %dot_general3A_49 {dimension_numbers = #tpu.dot_dimension_numbers<[1], [0], [0], [1], [0, 0, 1, 1], [], []>, transpose_lhs_hint = false} : vector<512x512xf32>, vector<512x768xf32>, vector<512x768xf32> -> vector<512x768xf32>
    %get3A_51 = arith.constant 0 : index
    %get3A_52 = arith.constant 0 : index
    %get3A_53 = vector.load %arg9[%get3A_51, %get3A_52] : memref<1x768xf32, #tpu.memory_space<vmem>>, vector<1x768xf32>
    %add3A_54 = vector.broadcast %get3A_53 : vector<1x768xf32> to vector<512x768xf32>
    %add3A_55 = arith.addf %dot_general3A_50, %add3A_54 : vector<512x768xf32>
    %swap3A_56 = arith.constant 0 : index
    %swap3A_57 = arith.constant 0 : index
    %swap3A_58 = vector.load %arg10[%swap3A_56, %swap3A_57] : memref<512x768xf32, #tpu.memory_space<vmem>>, vector<512x768xf32>
    tpu.vector_store %arg10[%swap3A_56, %swap3A_57], %add3A_55 {strides = array<i32>} : memref<512x768xf32, #tpu.memory_space<vmem>>, vector<512x768xf32>,
    return
  }
  func.func @transform_0(%arg0: i32) -> (i32, i32) {
    %c0_i32 = arith.constant 0 : i32
    %c0_i32_0 = arith.constant 0 : i32
    return %arg0, %c0_i32 : i32, i32
  }
  func.func @transform_1(%arg0: i32) -> (i32, i32) {
    %c0_i32 = arith.constant 0 : i32
    %c0_i32_0 = arith.constant 0 : i32
    return %arg0, %c0_i32 : i32, i32
  }
  func.func @transform_2(%arg0: i32) -> (i32, i32) {
    %c0_i32 = arith.constant 0 : i32
    %c0_i32_0 = arith.constant 0 : i32
    return %arg0, %c0_i32 : i32, i32
  }
  func.func @transform_3(%arg0: i32) -> (i32, i32) {
    %c0_i32 = arith.constant 0 : i32
    %c0_i32_0 = arith.constant 0 : i32
    %c0_i32_1 = arith.constant 0 : i32
    return %c0_i32, %c0_i32_0 : i32, i32
  }
  func.func @transform_4(%arg0: i32) -> (i32, i32) {
    %c0_i32 = arith.constant 0 : i32
    %c0_i32_0 = arith.constant 0 : i32
    %c0_i32_1 = arith.constant 0 : i32
    return %c0_i32, %c0_i32_0 : i32, i32
  }
  func.func @transform_5(%arg0: i32) -> (i32, i32) {
    %c0_i32 = arith.constant 0 : i32
    %c0_i32_0 = arith.constant 0 : i32
    %c0_i32_1 = arith.constant 0 : i32
    return %c0_i32, %c0_i32_0 : i32, i32
  }
  func.func @transform_6(%arg0: i32) -> (i32, i32) {
    %c0_i32 = arith.constant 0 : i32
    %c0_i32_0 = arith.constant 0 : i32
    %c0_i32_1 = arith.constant 0 : i32
    return %c0_i32, %c0_i32_0 : i32, i32
  }
  func.func @transform_7(%arg0: i32) -> (i32, i32) {
    %c0_i32 = arith.constant 0 : i32
    %c0_i32_0 = arith.constant 0 : i32
    %c0_i32_1 = arith.constant 0 : i32
    return %c0_i32, %c0_i32_0 : i32, i32
  }
  func.func @transform_8(%arg0: i32) -> (i32, i32) {
    %c0_i32 = arith.constant 0 : i32
    %c0_i32_0 = arith.constant 0 : i32
    %c0_i32_1 = arith.constant 0 : i32
    return %c0_i32, %c0_i32_0 : i32, i32
  }
  func.func @transform_9(%arg0: i32) -> (i32, i32) {
    %c0_i32 = arith.constant 0 : i32
    %c0_i32_0 = arith.constant 0 : i32
    return %arg0, %c0_i32 : i32, i32
  }
  func.func @transform_10(%arg0: i32) -> (i32, i32) {
    %c0_i32 = arith.constant 0 : i32
    %c0_i32_0 = arith.constant 0 : i32
    %c0_i32_1 = arith.constant 0 : i32
    return %c0_i32, %c0_i32_0 : i32, i32
  }
}

</mosaic_0001>

<sc_bundles>
// kernel: kernel.20.cloned.1.call-start
scs
__scs_entry_jumppad:
0x0: {  	(pc) =	sbr.rel $0x88, $3  }
0x1: {  	(tag) =	ssettag $0x0;
	lr =	simm.s32 $0x1  }
0x2: {  	[smem:$0x3F93] =	sst lr;
	_ =	strace $0xD0000000  }
0x3: {  	_ = 	snop  }
0x4: {  	_ = 	snop  }
0x5: {  	_ = 	snop  }
0x6: {  	_ = 	snop  }
0x7: {  	_ = 	snop  }
__scs_overlays_trampoline_lowered:
0x8: {  	[smem:$0x3FA2] =	sst s0  }
0x9: {  	[smem:$0x3FA3] =	sst s1  }
0xa: {  	[smem:$0x3FA4] =	sst s2  }
0xb: {  	[smem:$0x3FA5] =	sst s3  }
0xc: {  	[smem:$0x3FA6] =	sst s4  }
0xd: {  	[smem:$0x3FA7] =	sst s5  }
0xe: {  	[smem:$0x3FA8] =	sst s6  }
0xf: {  	[smem:$0x3FA9] =	sst s7  }
0x10: {  	[smem:$0x3FAA] =	sst s8  }
0x11: {  	[smem:$0x3FAB] =	sst s9;
	s0 =	simm.s32 @!p0 $0x0  }
0x12: {  	s1 =	sld [smem:$0x3F91];
	s0 =	simm.s32 @p0 $0x1  }
0x13: {  	[smem:$0x3FAC] =	sst s0;
	s0 =	simm.s32 @!p1 $0x0  }
0x14: {  	s2 =	sld [smem:$0x3F90];
	s0 =	simm.s32 @p1 $0x1  }
0x15: {  	[smem:$0x3FAD] =	sst s0;
	s0 =	simm.s32 @!p2 $0x0  }
0x16: {  	s3 =	sld [smem:$0x3FDB];
	s0 =	simm.s32 @p2 $0x1  }
0x17: {  	s4 =	simm.s32 $0x1BF5;
	[smem:$0x3FAF] =	sst s0  }
0x18: {  	s0 =	sld [smem:$0x3F92];
	_ =	swait.ge [sflag:s4], $0x0  }
0x19: {  	s7 =	sld [smem:$0x3F93]  }
0x1a: {  	s8 =	sadd.s32 $0xFFFFE003, lr  }
0x1b: {  	s9 =	sadd.s32 $0xFFFFFEF7, lr;
	s5 =	simm.s32 $0xFFFFFFFF;
	p2 =	slt.u32 s8, $0xFFFFF086  }
0x1c: {  	p1 =	slt.u32 s9, $0xF7A;
	s5 =	simm.s32 @!p2 $0x0  }
0x1d: {  	s5 =	simm.s32 @p1 $0x1;
	p0 =	seq.s32 s7, s2  }
0x1e: {  	s7 =	smul.u32 @!p0 $0xF7A, s2;
	p2 =	seq.s32 @!p0 s5, $0x0  }
0x1f: {  	s9 =	smul.u32 $0xF7A, s1;
	s8 =	simm.s32 @!p0 $0x1BF5;
	p2 =	por !p2, p0  }
0x20: {  	[sflag:s8] =	ssyncset.s32 @!p0 $0xFFFFF086;
	s6 =	sadd.s32 @!p0 s3, s7;
	s7 =	simm.s32 @!p0 $0x108  }
0x21: {  	s3 =	sadd.s32 s3, s9;
	s6 =	sadd.s32 @!p0 $0x88, s6;
	s7 =	simm.s32 @p2 $0x1082  }
0x22: {  	[simem:s7], [sflag:s8] =	dma.local @!p0 [hbm:s6], $0xF7A  }
0x23: {  	s9 =	sor.u32 $0xD0000000, s2;
	s6 =	simm.s32 $0x108;
	_ =	swait.ge @!p0 [sflag:s8], $0x0  }
0x24: {  	s3 =	sadd.s32 $0x88, s3;
	s6 =	simm.s32 @!p1 $0x1082;
	[sflag:s4] =	ssyncset.s32 $0xFFFFF086  }
0x25: {  	[simem:s6], [sflag:s4] =	dma.local [hbm:s3], $0xF7A  }
0x26: {  	[smem:$0x3F93] =	sst s1;
	(tag) =	ssettag s2;
	_ =	strace s9  }
0x27: {  	s1 =	sld [smem:$0x3FA3]  }
0x28: {  	s2 =	sld [smem:$0x3FA4]  }
0x29: {  	s4 =	sld [smem:$0x3FA6]  }
0x2a: {  	p0 =	seq.s32 s5, $0x0;
	s5 =	sld [smem:$0x3FA7]  }
0x2b: {  	s6 =	sld [smem:$0x3FA8]  }
0x2c: {  	s7 =	sld [smem:$0x3FA9]  }
0x2d: {  	s3 =	simm.s32 $0x108;
	s8 =	sld [smem:$0x3FAA]  }
0x2e: {  	s3 =	simm.s32 @!p0 $0x1082;
	s9 =	sld [smem:$0x3FAB]  }
0x2f: {  	lr =	sadd.s32 s0, s3;
	s0 =	sld [smem:$0x3FA2]  }
0x30: {  	s3 =	sld [smem:$0x3FA5]  }
0x31: {  	[smem:$0x3FAE] =	sst s10  }
0x32: {  	s10 =	sld [smem:$0x3FAC];
	_ =	sdelay $0x3  }
0x33: {  	p0 =	seq.s32 s10, $0x1;
	s10 =	sld [smem:$0x3FAE];
	_ =	sdelay $0x3  }
0x34: {  	[smem:$0x3FAE] =	sst s10  }
0x35: {  	s10 =	sld [smem:$0x3FAD];
	_ =	sdelay $0x3  }
0x36: {  	p1 =	seq.s32 s10, $0x1;
	s10 =	sld [smem:$0x3FAE];
	_ =	sdelay $0x3  }
0x37: {  	[smem:$0x3FAE] =	sst s10  }
0x38: {  	s10 =	sld [smem:$0x3FAF]  }
0x39: {  	_ = 	snop;
	(pc) =	sbr.ind lr, $3  }
0x3a: {  	_ = 	snop  }
0x3b: {  	_ = 	snop  }
0x3c: {  	p2 =	seq.s32 s10, $0x1;
	s10 =	sld [smem:$0x3FAE]  }
0x3d: {  	_ =	shalt  }
0x3e: {  	_ =	shalt  }
0x3f: {  	_ =	shalt  }
0x40: {  	_ =	shalt  }
0x41: {  	_ =	shalt  }
0x42: {  	_ =	shalt  }
0x43: {  	_ =	shalt  }
0x44: {  	_ =	shalt  }
0x45: {  	_ =	shalt  }
0x46: {  	_ =	shalt  }
0x47: {  	_ =	shalt  }
0x48: {  	_ =	shalt  }
0x49: {  	_ =	shalt  }
0x4a: {  	_ =	shalt  }
0x4b: {  	_ =	shalt  }
0x4c: {  	_ =	shalt  }
0x4d: {  	_ =	shalt  }
0x4e: {  	_ =	shalt  }
0x4f: {  	_ =	shalt  }
0x50: {  	_ =	shalt  }
0x51: {  	_ =	shalt  }
0x52: {  	_ =	shalt  }
0x53: {  	_ =	shalt  }
0x54: {  	_ =	shalt  }
0x55: {  	_ =	shalt  }
0x56: {  	_ =	shalt  }
0x57: {  	_ =	shalt  }
0x58: {  	_ =	shalt  }
0x59: {  	_ =	shalt  }
0x5a: {  	_ =	shalt  }
0x5b: {  	_ =	shalt  }
0x5c: {  	_ =	shalt  }
0x5d: {  	_ =	shalt  }
0x5e: {  	_ =	shalt  }
0x5f: {  	_ =	shalt  }
0x60: {  	_ =	shalt  }
0x61: {  	_ =	shalt  }
0x62: {  	_ =	shalt  }
0x63: {  	_ =	shalt  }
0x64: {  	_ =	shalt  }
0x65: {  	_ =	shalt  }
0x66: {  	_ =	shalt  }
0x67: {  	_ =	shalt  }
0x68: {  	_ =	shalt  }
0x69: {  	_ =	shalt  }
0x6a: {  	_ =	shalt  }
0x6b: {  	_ =	shalt  }
0x6c: {  	_ =	shalt  }
0x6d: {  	_ =	shalt  }
0x6e: {  	_ =	shalt  }
0x6f: {  	_ =	shalt  }
0x70: {  	_ =	shalt  }
0x71: {  	_ =	shalt  }
0x72: {  	_ =	shalt  }
0x73: {  	_ =	shalt  }
0x74: {  	_ =	shalt  }
0x75: {  	_ =	shalt  }
0x76: {  	_ =	shalt  }
0x77: {  	_ =	shalt  }
0x78: {  	_ =	shalt  }
0x79: {  	_ =	shalt  }
0x7a: {  	_ =	shalt  }
0x7b: {  	_ =	shalt  }
0x7c: {  	_ =	shalt  }
0x7d: {  	_ =	shalt  }
0x7e: {  	_ =	shalt  }
0x7f: {  	_ =	shalt  }
0x80: {  	_ =	shalt  }
0x81: {  	_ =	shalt  }
0x82: {  	_ =	shalt  }
0x83: {  	_ =	shalt  }
0x84: {  	_ =	shalt  }
0x85: {  	_ =	shalt  }
0x86: {  	_ =	shalt  }
0x87: {  	_ =	shalt  }
.Lfunc_end0:
.L_simem_size_0:
called_computation_lowered:
.L_overlay_start_0:
0x88: {  	s2 =	sld [smem:$0x3FD9]  }
0x89: {  	s3 =	sld [smem:$0x3FFE];
	_ =	sdelay $0x1  }
0x8a: {  	s1 =	srdreg.scid  }
0x8b: {  	s0 =	sand.u32 $0x1, s1  }
0x8c: {  	s16 =	sshll.u32 s0, $0xA;
	s2 =	sadd.s32 s3, s2  }
0x8d: {  	s2 =	sadd.s32 s2, s16  }
0x8e: {  	[smem:$0x3FBA] =	sst s2  }
0x8f: {  	_ = 	snop  }
0x90: {  	(tm) =	ssettm $0x1  }
0x91: {  	s17 =	sld [smem:$0x3FFB];
	_ =	sdelay $0x3  }
0x92: {  	_ =	strace s17  }
0x93: {  	s2 =	sld [smem:$0x3FFC];
	_ =	sdelay $0x3  }
0x94: {  	_ =	strace s2  }
0x95: {  	s2 =	sld [smem:$0x3FFD];
	_ =	sdelay $0x3  }
0x96: {  	_ =	strace s2  }
0x97: {  	_ =	strace $0x8FFFFFFF  }
0x98: {  	s18 =	sld [smem:$0x3FDB];
	_ =	sdelay $0x1  }
0x99: {  	s19 =	simm.s32 $_scs_section_size  }
0x9a: {  	s4 =	simm.s32 $_size__tile_overlayer_lowered;
	s5 =	simm.s32 $_tile_overlayer_lowered  }
0x9b: {  	s22 =	simm.s32 $0x1BFF;
	s21 =	sshll.u32 s5, $0x1;
	s2 =	sadd.s32 s19, s18  }
0x9c: {  	s6 =	simm.s32 $0x0;
	s20 =	sshll.u32 s4, $0x1;
	s4 =	sadd.s32 s21, s2  }
0x9d: {  	[timem:s6], [sflag:s22] =	dma.local [hbm:s4], s20  }
0x9e: {  	_ =	swait.ge [sflag:s22], s20  }
0x9f: {  	s3 =	ssub.s32 $0x0, s20;
	[sflag:s22] =	ssyncset.done $0x0  }
0xa0: {  	[sflag:s22] =	ssyncadd.s32 s3;
	_ =	sdelay $0x1  }
0xa1: {  	s23 =	simm.s32 $0x1B8B  }
0xa2: {  	_ =	swait.ge [sflag:s23], $0x1  }
0xa3: {  	[sflag:s23] =	ssyncset.done $0x0  }
0xa4: {  	s25 =	simm.s32 $0x1B8E;
	s24 =	sld [smem:$0x3FFE];
	[sflag:s23] =	ssyncadd.s32 $0xFFFFFFFF  }
0xa5: {  	s26 =	simm.s32 $execute0_lowered;
	[smem:$0x3FD2] =	sst s25  }
0xa6: {  	s4 =	sshll.u32 s26, $0x1;
	_ =	strace $0x80000046;
	[dreg:$0x1] =	wrdreg $0xFFFFFFFF  }
0xa7: {  	s28 =	simm.s32 $_size_execute0_lowered;
	s2 =	sadd.s32 s2, s4;
	[dreg:$0x0] =	wrdreg $0x0  }
0xa8: {  	s4 =	sshll.u32 s28, $0x1;
	[dreg:$0x2] =	wrdreg s2  }
0xa9: {  	[dreg:$0x3] =	wrdreg s4  }
0xaa: {  	[dreg:$0x4] =	wrdreg $0xC0  }
0xab: {  	_ =	task [dreg:s6], $0x5FFFF  }
0xac: {  	[dreg:$0x1] =	wrdreg $0xFFFFFFFF  }
0xad: {  	[dreg:$0x0] =	wrdreg $0x60  }
0xae: {  	[dreg:$0x2] =	wrdreg s24  }
0xaf: {  	[dreg:$0x3] =	wrdreg $0xA  }
0xb0: {  	_ =	task.clear_ibuf [dreg:s6], $0x4FFFF;
	_ =	strace $0x90000046  }
0xb1: {  	s29 =	simm.s32 $0xA;
	_ =	strace $0x80000048  }
0xb2: {  	_ =	swait.ge [sflag:s29], $0x1  }
0xb3: {  	[sflag:s29] =	ssyncadd.s32 $0xFFFFFFFF  }
0xb4: {  	_ =	strace $0x90000048  }
0xb5: {  	_ =	sfence  }
0xb6: {  	s30 =	sld [smem:$0x0];
	_ =	sdelay $0x2  }
0xb7: {  	s31 =	sshll.u32 s1, $0xD;
	s1 =	sshrl.u32 s1, $0x2  }
0xb8: {  	s3 =	sand.u32 $0x4000, s31;
	s1 =	sadd.s32 s1, s30  }
0xb9: {  	s0 =	sor.u32 s3, s0;
	s1 =	sshll.u32 s1, $0x11  }
0xba: {  	s0 =	sor.u32 s1, s0  }
0xbb: {  	s0 =	sadd.s32 $0x8F2B, s0  }
0xbc: {  	[sflag:s0] =	ssyncadd.remote.s32 $0x1  }
0xbd: {  	_ =	sfence.sel $0xFFFF  }
0xbe: {  	[dreg:$0x0] =	wrdreg $0xFFFFFFFF;
	(pc) =	sbr.abs _section_cstart, $3  }
0xbf: {  	[dreg:$0x1] =	wrdreg $0xFFFFFFFF  }
0xc0: {  	_ =	task.clear_ibuf [dreg:s6], $0x2FFFF;
	_ =	strace $0x9FFFFFFF  }
0xc1: {  	(tm) =	ssettm $0x7FFFFFFF  }
tec
execute0_lowered:
.L_overlay_start_1:
0x0: {  	(tag) =	ssettag $0x1  }
0x1: {  	s1 =	srdreg.scid  }
0x2: {  	s0 =	stileid.u32;
	s9 =	rddreg [dreg:$0x0];
	s6 =	sand.u32 $0x1, s1  }
0x3: {  	s7 =	simm.s32 $0x80;
	s30 =	sshll.u32 s0, $0x7;
	s2 =	sshll.u32 s6, $0x6  }
0x4: {  	s8 =	simm.s32 $0x1;
	s1 =	rddreg [dreg:$0x1];
	s10 =	sor.u32 s2, s30  }
0x5: {  	s5 =	sadd.s32 $0x82E00, s9;
	s2 =	simm.s32 $0x0;
	s3 =	sshrl.u32 s10, $0x3  }
0x6: {  	s11 =	ssub.s32 $0x2, s6;
	[smem:$0x7FF] =	sst s2;
	s3 =	sadd.s32 s3, s9  }
0x7: {  	_ =	strace $0x80000047;
	s4 =	sadd.s32 $0x2E00, s3;
	s3 =	simm.s32 $0x2  }
0x8: {  	[tilespmem:s2], [sflag:$0x2] =	stream.linear.gather [hbm4b:s4+s2], $0x40, $0x38;
	[tilespmem:$0x2080] =	vst v63  }
0x9: {  	s6 =	simm.s32 $0x40;
	s12 =	sshrl.u32 s11, $0x1;
	_ =	swait.ge [sflag:s3], $0x40  }
0xa: {  	s10 =	sshll.u32 s10, $0x4;
	s31 =	ssub.s32 s11, s12;
	[sflag:s3] =	ssyncset.done $0x0  }
0xb: {  	s9 =	sadd.s32 s10, s9;
	s10 =	smax.u32 s31, $0x1;
	[sflag:s3] =	ssyncadd.s32 $0xFFFFFFC0  }
0xc: {  	[tilespmem:s7], [sflag:$0x1] =	stream.indirect.gather [hbm4b:s5+s6], $0x80, s2, s6, $0xb8;
	[tilespmem:$0x2080] =	vst v63  }
0xd: {  	p0 =	sne.s32 s10, $0x1;
	_ =	swait.ge [sflag:s8], $0x2000  }
.Ltmp0:
0xe: {  	[sflag:s8] =	ssyncset.done $0x0;
	(pc) =	sbr.rel @!p0 .LBB2_2-.Ltmp0, $4  }
0xf: {  	s9 =	sadd.s32 $0x3000, s9;
	[sflag:s8] =	ssyncadd.s32 $0xFFFFE000  }
0x10: {  	[hbm4b:s9+s2] =	stream.linear.scatter [tilespmem:s7], [sflag:$0x2], $0x2000, $0x38;
	[tilespmem:$0x2080] =	vst v63  }
0x11: {  	_ =	swait.ge [sflag:s3], $0x2000  }
0x12: {  	s10 =	sadd.s32 $0xFFFFFFFF, s10;
	[sflag:s3] =	ssyncset.done $0x0  }
.LBB2_1:
0x13: {  	p0 =	sne.s32 s10, $0x1;
	s10 =	sadd.s32 $0xFFFFFFFF, s10;
	[sflag:s3] =	ssyncadd.s32 $0xFFFFE000  }
0x14: {  	[tilespmem:s2], [sflag:$0x2] =	stream.linear.gather [hbm4b:s4+s2], $0x40, $0x38;
	[tilespmem:$0x2080] =	vst v63  }
0x15: {  	_ =	swait.ge [sflag:s3], $0x40  }
0x16: {  	[sflag:s3] =	ssyncset.done $0x0  }
0x17: {  	[sflag:s3] =	ssyncadd.s32 $0xFFFFFFC0  }
0x18: {  	[tilespmem:s7], [sflag:$0x1] =	stream.indirect.gather [hbm4b:s5+s6], $0x80, s2, s6, $0xb8;
	[tilespmem:$0x2080] =	vst v63  }
0x19: {  	_ =	swait.ge [sflag:s8], $0x2000  }
.Ltmp1:
0x1a: {  	[sflag:s8] =	ssyncset.done $0x0;
	(pc) =	sbr.rel @p0 .LBB2_1-.Ltmp1, $4  }
0x1b: {  	[sflag:s8] =	ssyncadd.s32 $0xFFFFE000  }
0x1c: {  	[hbm4b:s9+s2] =	stream.linear.scatter [tilespmem:s7], [sflag:$0x2], $0x2000, $0x38;
	[tilespmem:$0x2080] =	vst v63  }
0x1d: {  	_ =	swait.ge [sflag:s3], $0x2000  }
0x1e: {  	[sflag:s3] =	ssyncset.done $0x0  }
.LBB2_2:
0x1f: {  	[sflag:s3] =	ssyncadd.s32 $0xFFFFE000  }
0x20: {  	_ =	sfence.sel $0x180000  }
0x21: {  	[bflag:$0x0] =	sbarrier.arrive $0xFFFF  }
0x22: {  	p0 =	sne.s32 s0, $0x0;
	_ =	strace $0x90000047  }
0x23: {  	s0 =	sadd.s32 @!p0 $0x100000, s1;
	[bflag:$0x2] =	sbarrier.arrive $0xFFFF  }
0x24: {  	[sflag:s0] =	ssyncadd.tile.s32 @!p0 $0x1;
	_ =	shalt  }
.Lfunc_end2:
_tile_overlayer_lowered:
.L_overlay_start_2:
0x25: {  	(tag) =	ssettag $0x2  }
0x26: {  	s0 =	rddreg [dreg:$0x0];
	s2 =	stileid.u32  }
0x27: {  	s1 =	rddreg [dreg:$0x1];
	p0 =	sne.s32 s2, $0x0  }
0x28: {  	s3 =	rddreg [dreg:$0x2];
	[bflag:$0x3] =	sbarrier.arrive $0xFFFF;
	s2 =	simm.s32 @!p0 $0x1C02  }
0x29: {  	[timem:s3], [sflag:s2] =	dma.local @!p0 [hbm:s0], s1  }
0x2a: {  	s0 =	simm.s32 @!p0 $0x2  }
0x2b: {  	_ =	swait.ge @!p0 [sflag:s0], s1  }
0x2c: {  	s1 =	ssub.s32 @!p0 $0x0, s1;
	[sflag:s0] =	ssyncset.done @!p0 $0x0  }
0x2d: {  	[sflag:s0] =	ssyncadd.s32 @!p0 s1  }
0x2e: {  	[bflag:$0x3] =	sbarrier.arrive $0xFFFF  }
0x2f: {  	_ =	shalt  }

// kernel: kernel.23.cloned.1.call-start
scs
__scs_entry_jumppad:
0x0: {  	(pc) =	sbr.rel $0x88, $3  }
0x1: {  	(tag) =	ssettag $0x0;
	lr =	simm.s32 $0x1  }
0x2: {  	[smem:$0x3F93] =	sst lr;
	_ =	strace $0xD0000000  }
0x3: {  	_ = 	snop  }
0x4: {  	_ = 	snop  }
0x5: {  	_ = 	snop  }
0x6: {  	_ = 	snop  }
0x7: {  	_ = 	snop  }
__scs_overlays_trampoline_lowered:
0x8: {  	[smem:$0x3FA2] =	sst s0  }
0x9: {  	[smem:$0x3FA3] =	sst s1  }
0xa: {  	[smem:$0x3FA4] =	sst s2  }
0xb: {  	[smem:$0x3FA5] =	sst s3  }
0xc: {  	[smem:$0x3FA6] =	sst s4  }
0xd: {  	[smem:$0x3FA7] =	sst s5  }
0xe: {  	[smem:$0x3FA8] =	sst s6  }
0xf: {  	[smem:$0x3FA9] =	sst s7  }
0x10: {  	[smem:$0x3FAA] =	sst s8  }
0x11: {  	[smem:$0x3FAB] =	sst s9;
	s0 =	simm.s32 @!p0 $0x0  }
0x12: {  	s1 =	sld [smem:$0x3F91];
	s0 =	simm.s32 @p0 $0x1  }
0x13: {  	[smem:$0x3FAC] =	sst s0;
	s0 =	simm.s32 @!p1 $0x0  }
0x14: {  	s2 =	sld [smem:$0x3F90];
	s0 =	simm.s32 @p1 $0x1  }
0x15: {  	[smem:$0x3FAD] =	sst s0;
	s0 =	simm.s32 @!p2 $0x0  }
0x16: {  	s3 =	sld [smem:$0x3FDB];
	s0 =	simm.s32 @p2 $0x1  }
0x17: {  	s4 =	simm.s32 $0x1BF5;
	[smem:$0x3FAF] =	sst s0  }
0x18: {  	s0 =	sld [smem:$0x3F92];
	_ =	swait.ge [sflag:s4], $0x0  }
0x19: {  	s7 =	sld [smem:$0x3F93]  }
0x1a: {  	s8 =	sadd.s32 $0xFFFFE003, lr  }
0x1b: {  	s9 =	sadd.s32 $0xFFFFFEF7, lr;
	s5 =	simm.s32 $0xFFFFFFFF;
	p2 =	slt.u32 s8, $0xFFFFF086  }
0x1c: {  	p1 =	slt.u32 s9, $0xF7A;
	s5 =	simm.s32 @!p2 $0x0  }
0x1d: {  	s5 =	simm.s32 @p1 $0x1;
	p0 =	seq.s32 s7, s2  }
0x1e: {  	s7 =	smul.u32 @!p0 $0xF7A, s2;
	p2 =	seq.s32 @!p0 s5, $0x0  }
0x1f: {  	s9 =	smul.u32 $0xF7A, s1;
	s8 =	simm.s32 @!p0 $0x1BF5;
	p2 =	por !p2, p0  }
0x20: {  	[sflag:s8] =	ssyncset.s32 @!p0 $0xFFFFF086;
	s6 =	sadd.s32 @!p0 s3, s7;
	s7 =	simm.s32 @!p0 $0x108  }
0x21: {  	s3 =	sadd.s32 s3, s9;
	s6 =	sadd.s32 @!p0 $0x88, s6;
	s7 =	simm.s32 @p2 $0x1082  }
0x22: {  	[simem:s7], [sflag:s8] =	dma.local @!p0 [hbm:s6], $0xF7A  }
0x23: {  	s9 =	sor.u32 $0xD0000000, s2;
	s6 =	simm.s32 $0x108;
	_ =	swait.ge @!p0 [sflag:s8], $0x0  }
0x24: {  	s3 =	sadd.s32 $0x88, s3;
	s6 =	simm.s32 @!p1 $0x1082;
	[sflag:s4] =	ssyncset.s32 $0xFFFFF086  }
0x25: {  	[simem:s6], [sflag:s4] =	dma.local [hbm:s3], $0xF7A  }
0x26: {  	[smem:$0x3F93] =	sst s1;
	(tag) =	ssettag s2;
	_ =	strace s9  }
0x27: {  	s1 =	sld [smem:$0x3FA3]  }
0x28: {  	s2 =	sld [smem:$0x3FA4]  }
0x29: {  	s4 =	sld [smem:$0x3FA6]  }
0x2a: {  	p0 =	seq.s32 s5, $0x0;
	s5 =	sld [smem:$0x3FA7]  }
0x2b: {  	s6 =	sld [smem:$0x3FA8]  }
0x2c: {  	s7 =	sld [smem:$0x3FA9]  }
0x2d: {  	s3 =	simm.s32 $0x108;
	s8 =	sld [smem:$0x3FAA]  }
0x2e: {  	s3 =	simm.s32 @!p0 $0x1082;
	s9 =	sld [smem:$0x3FAB]  }
0x2f: {  	lr =	sadd.s32 s0, s3;
	s0 =	sld [smem:$0x3FA2]  }
0x30: {  	s3 =	sld [smem:$0x3FA5]  }
0x31: {  	[smem:$0x3FAE] =	sst s10  }
0x32: {  	s10 =	sld [smem:$0x3FAC];
	_ =	sdelay $0x3  }
0x33: {  	p0 =	seq.s32 s10, $0x1;
	s10 =	sld [smem:$0x3FAE];
	_ =	sdelay $0x3  }
0x34: {  	[smem:$0x3FAE] =	sst s10  }
0x35: {  	s10 =	sld [smem:$0x3FAD];
	_ =	sdelay $0x3  }
0x36: {  	p1 =	seq.s32 s10, $0x1;
	s10 =	sld [smem:$0x3FAE];
	_ =	sdelay $0x3  }
0x37: {  	[smem:$0x3FAE] =	sst s10  }
0x38: {  	s10 =	sld [smem:$0x3FAF]  }
0x39: {  	_ = 	snop;
	(pc) =	sbr.ind lr, $3  }
0x3a: {  	_ = 	snop  }
0x3b: {  	_ = 	snop  }
0x3c: {  	p2 =	seq.s32 s10, $0x1;
	s10 =	sld [smem:$0x3FAE]  }
0x3d: {  	_ =	shalt  }
0x3e: {  	_ =	shalt  }
0x3f: {  	_ =	shalt  }
0x40: {  	_ =	shalt  }
0x41: {  	_ =	shalt  }
0x42: {  	_ =	shalt  }
0x43: {  	_ =	shalt  }
0x44: {  	_ =	shalt  }
0x45: {  	_ =	shalt  }
0x46: {  	_ =	shalt  }
0x47: {  	_ =	shalt  }
0x48: {  	_ =	shalt  }
0x49: {  	_ =	shalt  }
0x4a: {  	_ =	shalt  }
0x4b: {  	_ =	shalt  }
0x4c: {  	_ =	shalt  }
0x4d: {  	_ =	shalt  }
0x4e: {  	_ =	shalt  }
0x4f: {  	_ =	shalt  }
0x50: {  	_ =	shalt  }
0x51: {  	_ =	shalt  }
0x52: {  	_ =	shalt  }
0x53: {  	_ =	shalt  }
0x54: {  	_ =	shalt  }
0x55: {  	_ =	shalt  }
0x56: {  	_ =	shalt  }
0x57: {  	_ =	shalt  }
0x58: {  	_ =	shalt  }
0x59: {  	_ =	shalt  }
0x5a: {  	_ =	shalt  }
0x5b: {  	_ =	shalt  }
0x5c: {  	_ =	shalt  }
0x5d: {  	_ =	shalt  }
0x5e: {  	_ =	shalt  }
0x5f: {  	_ =	shalt  }
0x60: {  	_ =	shalt  }
0x61: {  	_ =	shalt  }
0x62: {  	_ =	shalt  }
0x63: {  	_ =	shalt  }
0x64: {  	_ =	shalt  }
0x65: {  	_ =	shalt  }
0x66: {  	_ =	shalt  }
0x67: {  	_ =	shalt  }
0x68: {  	_ =	shalt  }
0x69: {  	_ =	shalt  }
0x6a: {  	_ =	shalt  }
0x6b: {  	_ =	shalt  }
0x6c: {  	_ =	shalt  }
0x6d: {  	_ =	shalt  }
0x6e: {  	_ =	shalt  }
0x6f: {  	_ =	shalt  }
0x70: {  	_ =	shalt  }
0x71: {  	_ =	shalt  }
0x72: {  	_ =	shalt  }
0x73: {  	_ =	shalt  }
0x74: {  	_ =	shalt  }
0x75: {  	_ =	shalt  }
0x76: {  	_ =	shalt  }
0x77: {  	_ =	shalt  }
0x78: {  	_ =	shalt  }
0x79: {  	_ =	shalt  }
0x7a: {  	_ =	shalt  }
0x7b: {  	_ =	shalt  }
0x7c: {  	_ =	shalt  }
0x7d: {  	_ =	shalt  }
0x7e: {  	_ =	shalt  }
0x7f: {  	_ =	shalt  }
0x80: {  	_ =	shalt  }
0x81: {  	_ =	shalt  }
0x82: {  	_ =	shalt  }
0x83: {  	_ =	shalt  }
0x84: {  	_ =	shalt  }
0x85: {  	_ =	shalt  }
0x86: {  	_ =	shalt  }
0x87: {  	_ =	shalt  }
.Lfunc_end0:
.L_simem_size_0:
called_computation.1_lowered:
.L_overlay_start_0:
0x88: {  	s2 =	sld [smem:$0x3FD9]  }
0x89: {  	s3 =	sld [smem:$0x3FFE];
	_ =	sdelay $0x1  }
0x8a: {  	s1 =	srdreg.scid  }
0x8b: {  	s0 =	sand.u32 $0x1, s1  }
0x8c: {  	s15 =	sshll.u32 s0, $0xA;
	s2 =	sadd.s32 s3, s2  }
0x8d: {  	s2 =	sadd.s32 s2, s15  }
0x8e: {  	[smem:$0x3FBA] =	sst s2  }
0x8f: {  	_ = 	snop  }
0x90: {  	s2 =	sld [smem:$0x3FD0];
	_ =	sdelay $0x2  }
0x91: {  	s16 =	simm.s32 $0xB;
	s4 =	simm.s32 $0x10  }
0x92: {  	[smem:s4], [sflag:s16] =	dma.local [hbm:s2], $0x1  }
0x93: {  	_ =	swait.eq [sflag:s16], $0x1  }
0x94: {  	[sflag:s16] =	ssyncset.done $0x0  }
0x95: {  	[sflag:s16] =	ssyncadd.s32 $0xFFFFFFFF  }
0x96: {  	s17 =	sld [smem:$0x13];
	(tm) =	ssettm $0x1  }
0x97: {  	s18 =	sld [smem:$0x3FFB];
	_ =	sdelay $0x3  }
0x98: {  	_ =	strace s18  }
0x99: {  	s2 =	sld [smem:$0x3FFC];
	_ =	sdelay $0x3  }
0x9a: {  	_ =	strace s2  }
0x9b: {  	s2 =	sld [smem:$0x3FFD];
	_ =	sdelay $0x3  }
0x9c: {  	_ =	strace s2  }
0x9d: {  	_ =	strace $0x8FFFFFFF  }
0x9e: {  	s19 =	sld [smem:$0x3FDB];
	_ =	sdelay $0x1  }
0x9f: {  	s20 =	simm.s32 $_scs_section_size  }
0xa0: {  	s5 =	simm.s32 $_size__tile_overlayer_lowered;
	s6 =	simm.s32 $_tile_overlayer_lowered  }
0xa1: {  	s7 =	simm.s32 $0x1BFF;
	s21 =	sshll.u32 s6, $0x1;
	s4 =	sadd.s32 s20, s19  }
0xa2: {  	s22 =	simm.s32 $0x0;
	s5 =	sshll.u32 s5, $0x1;
	s6 =	sadd.s32 s21, s4  }
0xa3: {  	[timem:s22], [sflag:s7] =	dma.local [hbm:s6], s5  }
0xa4: {  	_ =	swait.ge [sflag:s7], s5  }
0xa5: {  	s5 =	ssub.s32 $0x0, s5;
	[sflag:s7] =	ssyncset.done $0x0  }
0xa6: {  	[sflag:s7] =	ssyncadd.s32 s5;
	_ =	sdelay $0x1  }
0xa7: {  	s23 =	simm.s32 $0x1B8B  }
0xa8: {  	_ =	swait.ge [sflag:s23], $0x1  }
0xa9: {  	[sflag:s23] =	ssyncset.done $0x0  }
0xaa: {  	[sflag:s23] =	ssyncadd.s32 $0xFFFFFFFF  }
0xab: {  	s5 =	sld [smem:$0x0]  }
0xac: {  	s6 =	sand.u32 $0xFFFFFFFE, s1  }
0xad: {  	p0 =	sne.s32 s1, s6  }
0xae: {  	s6 =	sshll.u32 @p0 s6, $0xE  }
0xaf: {  	s6 =	sadd.s32 @p0 $0x11B8D, s6;
	s7 =	sshll.u32 @p0 s5, $0x11  }
0xb0: {  	s6 =	sor.u32 @p0 s7, s6  }
0xb1: {  	[sflag:s6] =	ssyncadd.remote.s32 @p0 $0x1;
	_ =	sdelay $0x1  }
0xb2: {  	s6 =	simm.s32 @p0 $0x1B8D  }
0xb3: {  	_ =	swait.eq @p0 [sflag:s6], $0x1  }
0xb4: {  	[sflag:s6] =	ssyncadd.s32 @p0 $0xFFFFFFFF  }
0xb5: {  	s7 =	sshll.u32 @!p0 s1, $0xE  }
0xb6: {  	s7 =	sor.u32 @!p0 $0x4000, s7;
	s6 =	simm.s32 @!p0 $0x1B8D  }
0xb7: {  	s5 =	sshll.u32 @!p0 s5, $0x11;
	s7 =	sadd.s32 @!p0 $0x11B8D, s7;
	_ =	swait.eq @!p0 [sflag:s6], $0x1  }
0xb8: {  	s5 =	sor.u32 @!p0 s5, s7;
	[sflag:s6] =	ssyncadd.s32 @!p0 $0xFFFFFFFF  }
0xb9: {  	s25 =	simm.s32 $0x1B8E;
	s24 =	sld [smem:$0x3FFE];
	[sflag:s5] =	ssyncadd.remote.s32 @!p0 $0x1  }
0xba: {  	s26 =	simm.s32 $execute0_lowered;
	[smem:$0x3FD2] =	sst s25  }
0xbb: {  	s6 =	sshll.u32 s26, $0x1;
	_ =	strace $0x80000049;
	[dreg:$0x1] =	wrdreg $0xFFFFFFFF  }
0xbc: {  	s28 =	simm.s32 $_size_execute0_lowered;
	s4 =	sadd.s32 s4, s6;
	[dreg:$0x0] =	wrdreg $0x0  }
0xbd: {  	s6 =	sshll.u32 s28, $0x1;
	[dreg:$0x2] =	wrdreg s4  }
0xbe: {  	[dreg:$0x3] =	wrdreg s6  }
0xbf: {  	[dreg:$0x4] =	wrdreg $0xC0  }
0xc0: {  	_ =	task [dreg:s22], $0x5FFFF  }
0xc1: {  	[dreg:$0x1] =	wrdreg $0xFFFFFFFF  }
0xc2: {  	[dreg:$0x0] =	wrdreg $0x60  }
0xc3: {  	[dreg:$0x2] =	wrdreg s24  }
0xc4: {  	[dreg:$0x3] =	wrdreg s17  }
0xc5: {  	[dreg:$0x4] =	wrdreg $0x9  }
0xc6: {  	_ =	task.clear_ibuf [dreg:s22], $0x5FFFF;
	_ =	strace $0x90000049  }
0xc7: {  	s29 =	simm.s32 $0x9;
	_ =	strace $0x8000004B  }
0xc8: {  	_ =	swait.ge [sflag:s29], $0x1  }
0xc9: {  	[sflag:s29] =	ssyncadd.s32 $0xFFFFFFFF  }
0xca: {  	_ =	strace $0x9000004B  }
0xcb: {  	_ =	sfence  }
0xcc: {  	s30 =	sld [smem:$0x0];
	_ =	sdelay $0x2  }
0xcd: {  	s31 =	sshll.u32 s1, $0xD;
	s1 =	sshrl.u32 s1, $0x2  }
0xce: {  	s4 =	sand.u32 $0x4000, s31;
	s1 =	sadd.s32 s1, s30  }
0xcf: {  	s0 =	sor.u32 s4, s0;
	s1 =	sshll.u32 s1, $0x11  }
0xd0: {  	s0 =	sor.u32 s1, s0  }
0xd1: {  	s0 =	sadd.s32 $0x8F2B, s0  }
0xd2: {  	[sflag:s0] =	ssyncadd.remote.s32 $0x1  }
0xd3: {  	_ =	sfence.sel $0xFFFF  }
0xd4: {  	[dreg:$0x0] =	wrdreg $0xFFFFFFFF;
	(pc) =	sbr.abs _section_cstart, $3  }
0xd5: {  	[dreg:$0x1] =	wrdreg $0xFFFFFFFF  }
0xd6: {  	_ =	task.clear_ibuf [dreg:s22], $0x2FFFF;
	_ =	strace $0x9FFFFFFF  }
0xd7: {  	(tm) =	ssettm $0x7FFFFFFF  }
tec
execute0_lowered:
.L_overlay_start_1:
0x0: {  	(tag) =	ssettag $0x1  }
0x1: {  	s1 =	srdreg.scid;
	s9 =	rddreg [dreg:$0x0]  }
0x2: {  	s0 =	stileid.u32;
	s3 =	rddreg [dreg:$0x1]  }
0x3: {  	s2 =	simm.s32 $0x0;
	s7 =	simm.s32 $0x80;
	s6 =	sand.u32 $0x1, s1  }
0x4: {  	s4 =	sshll.u32 s0, $0x7;
	s1 =	rddreg [dreg:$0x2];
	s5 =	sshll.u32 s6, $0x6  }
0x5: {  	s8 =	simm.s32 $0x1;
	[smem:$0x7FF] =	sst s2;
	s10 =	sor.u32 s5, s4  }
0x6: {  	_ =	strace $0x8000004A;
	s11 =	ssub.s32 $0x2, s6;
	s4 =	sshrl.u32 s10, $0x3  }
0x7: {  	s6 =	simm.s32 $0x40;
	s4 =	sadd.s32 s3, s4;
	s3 =	simm.s32 $0x2  }
0x8: {  	[tilespmem:s2], [sflag:$0x2] =	stream.linear.gather [hbm4b:s4+s2], $0x40, $0x38;
	[tilespmem:$0x2080] =	vst v63  }
0x9: {  	s5 =	sadd.s32 $0x82E00, s9;
	s12 =	sshrl.u32 s11, $0x1;
	_ =	swait.ge [sflag:s3], $0x40  }
0xa: {  	s10 =	sshll.u32 s10, $0x4;
	s31 =	ssub.s32 s11, s12;
	[sflag:s3] =	ssyncset.done $0x0  }
0xb: {  	s9 =	sadd.s32 s10, s9;
	s10 =	smax.u32 s31, $0x1;
	[sflag:s3] =	ssyncadd.s32 $0xFFFFFFC0  }
0xc: {  	[tilespmem:s7], [sflag:$0x1] =	stream.indirect.gather [hbm4b:s5+s6], $0x80, s2, s6, $0xb8;
	[tilespmem:$0x2080] =	vst v63  }
0xd: {  	p0 =	sne.s32 s10, $0x1;
	_ =	swait.ge [sflag:s8], $0x2000  }
.Ltmp0:
0xe: {  	[sflag:s8] =	ssyncset.done $0x0;
	(pc) =	sbr.rel @!p0 .LBB2_2-.Ltmp0, $4  }
0xf: {  	s9 =	sadd.s32 $0xB000, s9;
	[sflag:s8] =	ssyncadd.s32 $0xFFFFE000  }
0x10: {  	[hbm4b:s9+s2] =	stream.linear.scatter [tilespmem:s7], [sflag:$0x2], $0x2000, $0x38;
	[tilespmem:$0x2080] =	vst v63  }
0x11: {  	_ =	swait.ge [sflag:s3], $0x2000  }
0x12: {  	s10 =	sadd.s32 $0xFFFFFFFF, s10;
	[sflag:s3] =	ssyncset.done $0x0  }
.LBB2_1:
0x13: {  	p0 =	sne.s32 s10, $0x1;
	s10 =	sadd.s32 $0xFFFFFFFF, s10;
	[sflag:s3] =	ssyncadd.s32 $0xFFFFE000  }
0x14: {  	[tilespmem:s2], [sflag:$0x2] =	stream.linear.gather [hbm4b:s4+s2], $0x40, $0x38;
	[tilespmem:$0x2080] =	vst v63  }
0x15: {  	_ =	swait.ge [sflag:s3], $0x40  }
0x16: {  	[sflag:s3] =	ssyncset.done $0x0  }
0x17: {  	[sflag:s3] =	ssyncadd.s32 $0xFFFFFFC0  }
0x18: {  	[tilespmem:s7], [sflag:$0x1] =	stream.indirect.gather [hbm4b:s5+s6], $0x80, s2, s6, $0xb8;
	[tilespmem:$0x2080] =	vst v63  }
0x19: {  	_ =	swait.ge [sflag:s8], $0x2000  }
.Ltmp1:
0x1a: {  	[sflag:s8] =	ssyncset.done $0x0;
	(pc) =	sbr.rel @p0 .LBB2_1-.Ltmp1, $4  }
0x1b: {  	[sflag:s8] =	ssyncadd.s32 $0xFFFFE000  }
0x1c: {  	[hbm4b:s9+s2] =	stream.linear.scatter [tilespmem:s7], [sflag:$0x2], $0x2000, $0x38;
	[tilespmem:$0x2080] =	vst v63  }
0x1d: {  	_ =	swait.ge [sflag:s3], $0x2000  }
0x1e: {  	[sflag:s3] =	ssyncset.done $0x0  }
.LBB2_2:
0x1f: {  	[sflag:s3] =	ssyncadd.s32 $0xFFFFE000  }
0x20: {  	_ =	sfence.sel $0x180000  }
0x21: {  	[bflag:$0x0] =	sbarrier.arrive $0xFFFF  }
0x22: {  	p0 =	sne.s32 s0, $0x0;
	_ =	strace $0x9000004A  }
0x23: {  	s0 =	sadd.s32 @!p0 $0x100000, s1;
	[bflag:$0x2] =	sbarrier.arrive $0xFFFF  }
0x24: {  	[sflag:s0] =	ssyncadd.tile.s32 @!p0 $0x1;
	_ =	shalt  }
.Lfunc_end2:
_tile_overlayer_lowered:
.L_overlay_start_2:
0x25: {  	(tag) =	ssettag $0x2  }
0x26: {  	s0 =	rddreg [dreg:$0x0];
	s2 =	stileid.u32  }
0x27: {  	s1 =	rddreg [dreg:$0x1];
	p0 =	sne.s32 s2, $0x0  }
0x28: {  	s3 =	rddreg [dreg:$0x2];
	[bflag:$0x3] =	sbarrier.arrive $0xFFFF;
	s2 =	simm.s32 @!p0 $0x1C02  }
0x29: {  	[timem:s3], [sflag:s2] =	dma.local @!p0 [hbm:s0], s1  }
0x2a: {  	s0 =	simm.s32 @!p0 $0x2  }
0x2b: {  	_ =	swait.ge @!p0 [sflag:s0], s1  }
0x2c: {  	s1 =	ssub.s32 @!p0 $0x0, s1;
	[sflag:s0] =	ssyncset.done @!p0 $0x0  }
0x2d: {  	[sflag:s0] =	ssyncadd.s32 @!p0 s1  }
0x2e: {  	[bflag:$0x3] =	sbarrier.arrive $0xFFFF  }
0x2f: {  	_ =	shalt  }

// kernel: kernel.26.cloned.1.call-start
scs
__scs_entry_jumppad:
0x0: {  	(pc) =	sbr.rel $0x88, $3  }
0x1: {  	(tag) =	ssettag $0x0;
	lr =	simm.s32 $0x1  }
0x2: {  	[smem:$0x3F93] =	sst lr;
	_ =	strace $0xD0000000  }
0x3: {  	_ = 	snop  }
0x4: {  	_ = 	snop  }
0x5: {  	_ = 	snop  }
0x6: {  	_ = 	snop  }
0x7: {  	_ = 	snop  }
__scs_overlays_trampoline_lowered:
0x8: {  	[smem:$0x3FA2] =	sst s0  }
0x9: {  	[smem:$0x3FA3] =	sst s1  }
0xa: {  	[smem:$0x3FA4] =	sst s2  }
0xb: {  	[smem:$0x3FA5] =	sst s3  }
0xc: {  	[smem:$0x3FA6] =	sst s4  }
0xd: {  	[smem:$0x3FA7] =	sst s5  }
0xe: {  	[smem:$0x3FA8] =	sst s6  }
0xf: {  	[smem:$0x3FA9] =	sst s7  }
0x10: {  	[smem:$0x3FAA] =	sst s8  }
0x11: {  	[smem:$0x3FAB] =	sst s9;
	s0 =	simm.s32 @!p0 $0x0  }
0x12: {  	s1 =	sld [smem:$0x3F91];
	s0 =	simm.s32 @p0 $0x1  }
0x13: {  	[smem:$0x3FAC] =	sst s0;
	s0 =	simm.s32 @!p1 $0x0  }
0x14: {  	s2 =	sld [smem:$0x3F90];
	s0 =	simm.s32 @p1 $0x1  }
0x15: {  	[smem:$0x3FAD] =	sst s0;
	s0 =	simm.s32 @!p2 $0x0  }
0x16: {  	s3 =	sld [smem:$0x3FDB];
	s0 =	simm.s32 @p2 $0x1  }
0x17: {  	s4 =	simm.s32 $0x1BF5;
	[smem:$0x3FAF] =	sst s0  }
0x18: {  	s0 =	sld [smem:$0x3F92];
	_ =	swait.ge [sflag:s4], $0x0  }
0x19: {  	s7 =	sld [smem:$0x3F93]  }
0x1a: {  	s8 =	sadd.s32 $0xFFFFE003, lr  }
0x1b: {  	s9 =	sadd.s32 $0xFFFFFEF7, lr;
	s5 =	simm.s32 $0xFFFFFFFF;
	p2 =	slt.u32 s8, $0xFFFFF086  }
0x1c: {  	p1 =	slt.u32 s9, $0xF7A;
	s5 =	simm.s32 @!p2 $0x0  }
0x1d: {  	s5 =	simm.s32 @p1 $0x1;
	p0 =	seq.s32 s7, s2  }
0x1e: {  	s7 =	smul.u32 @!p0 $0xF7A, s2;
	p2 =	seq.s32 @!p0 s5, $0x0  }
0x1f: {  	s9 =	smul.u32 $0xF7A, s1;
	s8 =	simm.s32 @!p0 $0x1BF5;
	p2 =	por !p2, p0  }
0x20: {  	[sflag:s8] =	ssyncset.s32 @!p0 $0xFFFFF086;
	s6 =	sadd.s32 @!p0 s3, s7;
	s7 =	simm.s32 @!p0 $0x108  }
0x21: {  	s3 =	sadd.s32 s3, s9;
	s6 =	sadd.s32 @!p0 $0x88, s6;
	s7 =	simm.s32 @p2 $0x1082  }
0x22: {  	[simem:s7], [sflag:s8] =	dma.local @!p0 [hbm:s6], $0xF7A  }
0x23: {  	s9 =	sor.u32 $0xD0000000, s2;
	s6 =	simm.s32 $0x108;
	_ =	swait.ge @!p0 [sflag:s8], $0x0  }
0x24: {  	s3 =	sadd.s32 $0x88, s3;
	s6 =	simm.s32 @!p1 $0x1082;
	[sflag:s4] =	ssyncset.s32 $0xFFFFF086  }
0x25: {  	[simem:s6], [sflag:s4] =	dma.local [hbm:s3], $0xF7A  }
0x26: {  	[smem:$0x3F93] =	sst s1;
	(tag) =	ssettag s2;
	_ =	strace s9  }
0x27: {  	s1 =	sld [smem:$0x3FA3]  }
0x28: {  	s2 =	sld [smem:$0x3FA4]  }
0x29: {  	s4 =	sld [smem:$0x3FA6]  }
0x2a: {  	p0 =	seq.s32 s5, $0x0;
	s5 =	sld [smem:$0x3FA7]  }
0x2b: {  	s6 =	sld [smem:$0x3FA8]  }
0x2c: {  	s7 =	sld [smem:$0x3FA9]  }
0x2d: {  	s3 =	simm.s32 $0x108;
	s8 =	sld [smem:$0x3FAA]  }
0x2e: {  	s3 =	simm.s32 @!p0 $0x1082;
	s9 =	sld [smem:$0x3FAB]  }
0x2f: {  	lr =	sadd.s32 s0, s3;
	s0 =	sld [smem:$0x3FA2]  }
0x30: {  	s3 =	sld [smem:$0x3FA5]  }
0x31: {  	[smem:$0x3FAE] =	sst s10  }
0x32: {  	s10 =	sld [smem:$0x3FAC];
	_ =	sdelay $0x3  }
0x33: {  	p0 =	seq.s32 s10, $0x1;
	s10 =	sld [smem:$0x3FAE];
	_ =	sdelay $0x3  }
0x34: {  	[smem:$0x3FAE] =	sst s10  }
0x35: {  	s10 =	sld [smem:$0x3FAD];
	_ =	sdelay $0x3  }
0x36: {  	p1 =	seq.s32 s10, $0x1;
	s10 =	sld [smem:$0x3FAE];
	_ =	sdelay $0x3  }
0x37: {  	[smem:$0x3FAE] =	sst s10  }
0x38: {  	s10 =	sld [smem:$0x3FAF]  }
0x39: {  	_ = 	snop;
	(pc) =	sbr.ind lr, $3  }
0x3a: {  	_ = 	snop  }
0x3b: {  	_ = 	snop  }
0x3c: {  	p2 =	seq.s32 s10, $0x1;
	s10 =	sld [smem:$0x3FAE]  }
0x3d: {  	_ =	shalt  }
0x3e: {  	_ =	shalt  }
0x3f: {  	_ =	shalt  }
0x40: {  	_ =	shalt  }
0x41: {  	_ =	shalt  }
0x42: {  	_ =	shalt  }
0x43: {  	_ =	shalt  }
0x44: {  	_ =	shalt  }
0x45: {  	_ =	shalt  }
0x46: {  	_ =	shalt  }
0x47: {  	_ =	shalt  }
0x48: {  	_ =	shalt  }
0x49: {  	_ =	shalt  }
0x4a: {  	_ =	shalt  }
0x4b: {  	_ =	shalt  }
0x4c: {  	_ =	shalt  }
0x4d: {  	_ =	shalt  }
0x4e: {  	_ =	shalt  }
0x4f: {  	_ =	shalt  }
0x50: {  	_ =	shalt  }
0x51: {  	_ =	shalt  }
0x52: {  	_ =	shalt  }
0x53: {  	_ =	shalt  }
0x54: {  	_ =	shalt  }
0x55: {  	_ =	shalt  }
0x56: {  	_ =	shalt  }
0x57: {  	_ =	shalt  }
0x58: {  	_ =	shalt  }
0x59: {  	_ =	shalt  }
0x5a: {  	_ =	shalt  }
0x5b: {  	_ =	shalt  }
0x5c: {  	_ =	shalt  }
0x5d: {  	_ =	shalt  }
0x5e: {  	_ =	shalt  }
0x5f: {  	_ =	shalt  }
0x60: {  	_ =	shalt  }
0x61: {  	_ =	shalt  }
0x62: {  	_ =	shalt  }
0x63: {  	_ =	shalt  }
0x64: {  	_ =	shalt  }
0x65: {  	_ =	shalt  }
0x66: {  	_ =	shalt  }
0x67: {  	_ =	shalt  }
0x68: {  	_ =	shalt  }
0x69: {  	_ =	shalt  }
0x6a: {  	_ =	shalt  }
0x6b: {  	_ =	shalt  }
0x6c: {  	_ =	shalt  }
0x6d: {  	_ =	shalt  }
0x6e: {  	_ =	shalt  }
0x6f: {  	_ =	shalt  }
0x70: {  	_ =	shalt  }
0x71: {  	_ =	shalt  }
0x72: {  	_ =	shalt  }
0x73: {  	_ =	shalt  }
0x74: {  	_ =	shalt  }
0x75: {  	_ =	shalt  }
0x76: {  	_ =	shalt  }
0x77: {  	_ =	shalt  }
0x78: {  	_ =	shalt  }
0x79: {  	_ =	shalt  }
0x7a: {  	_ =	shalt  }
0x7b: {  	_ =	shalt  }
0x7c: {  	_ =	shalt  }
0x7d: {  	_ =	shalt  }
0x7e: {  	_ =	shalt  }
0x7f: {  	_ =	shalt  }
0x80: {  	_ =	shalt  }
0x81: {  	_ =	shalt  }
0x82: {  	_ =	shalt  }
0x83: {  	_ =	shalt  }
0x84: {  	_ =	shalt  }
0x85: {  	_ =	shalt  }
0x86: {  	_ =	shalt  }
0x87: {  	_ =	shalt  }
.Lfunc_end0:
.L_simem_size_0:
called_computation.2_lowered:
.L_overlay_start_0:
0x88: {  	s2 =	sld [smem:$0x3FD9]  }
0x89: {  	s3 =	sld [smem:$0x3FFE];
	_ =	sdelay $0x1  }
0x8a: {  	s1 =	srdreg.scid  }
0x8b: {  	s0 =	sand.u32 $0x1, s1  }
0x8c: {  	s17 =	sshll.u32 s0, $0xA;
	s2 =	sadd.s32 s3, s2  }
0x8d: {  	s2 =	sadd.s32 s2, s17  }
0x8e: {  	[smem:$0x3FBA] =	sst s2  }
0x8f: {  	_ = 	snop  }
0x90: {  	(tm) =	ssettm $0x1  }
0x91: {  	s18 =	sld [smem:$0x3FFB];
	_ =	sdelay $0x3  }
0x92: {  	_ =	strace s18  }
0x93: {  	s2 =	sld [smem:$0x3FFC];
	_ =	sdelay $0x3  }
0x94: {  	_ =	strace s2  }
0x95: {  	s2 =	sld [smem:$0x3FFD];
	_ =	sdelay $0x3  }
0x96: {  	_ =	strace s2  }
0x97: {  	_ =	strace $0x8FFFFFFF  }
0x98: {  	s19 =	sld [smem:$0x3FDB];
	_ =	sdelay $0x1  }
0x99: {  	s20 =	simm.s32 $_scs_section_size  }
0x9a: {  	s4 =	simm.s32 $_size__tile_overlayer_lowered;
	s5 =	simm.s32 $_tile_overlayer_lowered  }
0x9b: {  	s6 =	simm.s32 $0x1BFF;
	s21 =	sshll.u32 s5, $0x1;
	s3 =	sadd.s32 s20, s19  }
0x9c: {  	s22 =	simm.s32 $0x0;
	s4 =	sshll.u32 s4, $0x1;
	s5 =	sadd.s32 s21, s3  }
0x9d: {  	[timem:s22], [sflag:s6] =	dma.local [hbm:s5], s4  }
0x9e: {  	_ =	swait.ge [sflag:s6], s4  }
0x9f: {  	s4 =	ssub.s32 $0x0, s4;
	[sflag:s6] =	ssyncset.done $0x0  }
0xa0: {  	[sflag:s6] =	ssyncadd.s32 s4;
	_ =	sdelay $0x1  }
0xa1: {  	s23 =	simm.s32 $0x1B8B  }
0xa2: {  	_ =	swait.ge [sflag:s23], $0x1  }
0xa3: {  	[sflag:s23] =	ssyncset.done $0x0  }
0xa4: {  	[sflag:s23] =	ssyncadd.s32 $0xFFFFFFFF  }
0xa5: {  	s4 =	sld [smem:$0x0]  }
0xa6: {  	s5 =	sand.u32 $0xFFFFFFFE, s1  }
0xa7: {  	p0 =	sne.s32 s1, s5  }
0xa8: {  	s5 =	sshll.u32 @p0 s5, $0xE  }
0xa9: {  	s5 =	sadd.s32 @p0 $0x11B8D, s5;
	s6 =	sshll.u32 @p0 s4, $0x11  }
0xaa: {  	s5 =	sor.u32 @p0 s6, s5  }
0xab: {  	[sflag:s5] =	ssyncadd.remote.s32 @p0 $0x1;
	_ =	sdelay $0x1  }
0xac: {  	s5 =	simm.s32 @p0 $0x1B8D  }
0xad: {  	_ =	swait.eq @p0 [sflag:s5], $0x1  }
0xae: {  	[sflag:s5] =	ssyncadd.s32 @p0 $0xFFFFFFFF  }
0xaf: {  	s6 =	sshll.u32 @!p0 s1, $0xE  }
0xb0: {  	s6 =	sor.u32 @!p0 $0x4000, s6;
	s5 =	simm.s32 @!p0 $0x1B8D  }
0xb1: {  	s4 =	sshll.u32 @!p0 s4, $0x11;
	s6 =	sadd.s32 @!p0 $0x11B8D, s6;
	_ =	swait.eq @!p0 [sflag:s5], $0x1  }
0xb2: {  	s4 =	sor.u32 @!p0 s4, s6;
	[sflag:s5] =	ssyncadd.s32 @!p0 $0xFFFFFFFF  }
0xb3: {  	s25 =	simm.s32 $0x1B8E;
	s24 =	sld [smem:$0x3FFE];
	[sflag:s4] =	ssyncadd.remote.s32 @!p0 $0x1  }
0xb4: {  	s26 =	simm.s32 $execute0_lowered;
	[smem:$0x3FD2] =	sst s25  }
0xb5: {  	s5 =	sshll.u32 s26, $0x1;
	_ =	strace $0x8000004C;
	[dreg:$0x1] =	wrdreg $0xFFFFFFFF  }
0xb6: {  	s28 =	simm.s32 $_size_execute0_lowered;
	s3 =	sadd.s32 s3, s5;
	[dreg:$0x0] =	wrdreg $0x0  }
0xb7: {  	s5 =	sshll.u32 s28, $0x1;
	[dreg:$0x2] =	wrdreg s3  }
0xb8: {  	[dreg:$0x3] =	wrdreg s5  }
0xb9: {  	[dreg:$0x4] =	wrdreg $0xC0  }
0xba: {  	_ =	task [dreg:s22], $0x5FFFF  }
0xbb: {  	[dreg:$0x1] =	wrdreg $0xFFFFFFFF  }
0xbc: {  	[dreg:$0x0] =	wrdreg $0x60  }
0xbd: {  	[dreg:$0x2] =	wrdreg s24  }
0xbe: {  	[dreg:$0x3] =	wrdreg $0xA  }
0xbf: {  	_ =	task.clear_ibuf [dreg:s22], $0x4FFFF;
	_ =	strace $0x9000004C  }
0xc0: {  	s29 =	simm.s32 $0xA;
	_ =	strace $0x8000004E  }
0xc1: {  	_ =	swait.ge [sflag:s29], $0x1  }
0xc2: {  	[sflag:s29] =	ssyncadd.s32 $0xFFFFFFFF  }
0xc3: {  	_ =	strace $0x9000004E  }
0xc4: {  	_ =	sfence  }
0xc5: {  	s30 =	sld [smem:$0x0];
	_ =	sdelay $0x2  }
0xc6: {  	s31 =	sshll.u32 s1, $0xD;
	s1 =	sshrl.u32 s1, $0x2  }
0xc7: {  	s4 =	sand.u32 $0x4000, s31;
	s1 =	sadd.s32 s1, s30  }
0xc8: {  	s0 =	sor.u32 s4, s0;
	s1 =	sshll.u32 s1, $0x11  }
0xc9: {  	s0 =	sor.u32 s1, s0  }
0xca: {  	s0 =	sadd.s32 $0x8F2B, s0  }
0xcb: {  	[sflag:s0] =	ssyncadd.remote.s32 $0x1  }
0xcc: {  	_ =	sfence.sel $0xFFFF  }
0xcd: {  	[dreg:$0x0] =	wrdreg $0xFFFFFFFF;
	(pc) =	sbr.abs _section_cstart, $3  }
0xce: {  	[dreg:$0x1] =	wrdreg $0xFFFFFFFF  }
0xcf: {  	_ =	task.clear_ibuf [dreg:s22], $0x2FFFF;
	_ =	strace $0x9FFFFFFF  }
0xd0: {  	(tm) =	ssettm $0x7FFFFFFF  }
0xd1: {  	_ =	shalt  }
tec
execute0_lowered:
.L_overlay_start_1:
0x0: {  	(tag) =	ssettag $0x1  }
0x1: {  	s1 =	srdreg.scid  }
0x2: {  	s0 =	stileid.u32;
	s9 =	rddreg [dreg:$0x0];
	s6 =	sand.u32 $0x1, s1  }
0x3: {  	s7 =	simm.s32 $0x80;
	s30 =	sshll.u32 s0, $0x7;
	s2 =	sshll.u32 s6, $0x6  }
0x4: {  	s8 =	simm.s32 $0x1;
	s1 =	rddreg [dreg:$0x1];
	s10 =	sor.u32 s2, s30  }
0x5: {  	s5 =	sadd.s32 $0xA2E00, s9;
	s2 =	simm.s32 $0x0;
	s3 =	sshrl.u32 s10, $0x3  }
0x6: {  	s11 =	ssub.s32 $0x2, s6;
	[smem:$0x7FF] =	sst s2;
	s3 =	sadd.s32 s3, s9  }
0x7: {  	_ =	strace $0x8000004D;
	s4 =	sadd.s32 $0x2E00, s3;
	s3 =	simm.s32 $0x2  }
0x8: {  	[tilespmem:s2], [sflag:$0x2] =	stream.linear.gather [hbm4b:s4+s2], $0x40, $0x38;
	[tilespmem:$0x2080] =	vst v63  }
0x9: {  	s6 =	simm.s32 $0x40;
	s12 =	sshrl.u32 s11, $0x1;
	_ =	swait.ge [sflag:s3], $0x40  }
0xa: {  	s10 =	sshll.u32 s10, $0x4;
	s31 =	ssub.s32 s11, s12;
	[sflag:s3] =	ssyncset.done $0x0  }
0xb: {  	s9 =	sadd.s32 s10, s9;
	s10 =	smax.u32 s31, $0x1;
	[sflag:s3] =	ssyncadd.s32 $0xFFFFFFC0  }
0xc: {  	[tilespmem:s7], [sflag:$0x1] =	stream.indirect.gather [hbm4b:s5+s6], $0x80, s2, s6, $0xb8;
	[tilespmem:$0x2080] =	vst v63  }
0xd: {  	p0 =	sne.s32 s10, $0x1;
	_ =	swait.ge [sflag:s8], $0x2000  }
.Ltmp0:
0xe: {  	[sflag:s8] =	ssyncset.done $0x0;
	(pc) =	sbr.rel @!p0 .LBB2_2-.Ltmp0, $4  }
0xf: {  	s9 =	sadd.s32 $0x3000, s9;
	[sflag:s8] =	ssyncadd.s32 $0xFFFFE000  }
0x10: {  	[hbm4b:s9+s2] =	stream.linear.scatter [tilespmem:s7], [sflag:$0x2], $0x2000, $0x38;
	[tilespmem:$0x2080] =	vst v63  }
0x11: {  	_ =	swait.ge [sflag:s3], $0x2000  }
0x12: {  	s10 =	sadd.s32 $0xFFFFFFFF, s10;
	[sflag:s3] =	ssyncset.done $0x0  }
.LBB2_1:
0x13: {  	p0 =	sne.s32 s10, $0x1;
	s10 =	sadd.s32 $0xFFFFFFFF, s10;
	[sflag:s3] =	ssyncadd.s32 $0xFFFFE000  }
0x14: {  	[tilespmem:s2], [sflag:$0x2] =	stream.linear.gather [hbm4b:s4+s2], $0x40, $0x38;
	[tilespmem:$0x2080] =	vst v63  }
0x15: {  	_ =	swait.ge [sflag:s3], $0x40  }
0x16: {  	[sflag:s3] =	ssyncset.done $0x0  }
0x17: {  	[sflag:s3] =	ssyncadd.s32 $0xFFFFFFC0  }
0x18: {  	[tilespmem:s7], [sflag:$0x1] =	stream.indirect.gather [hbm4b:s5+s6], $0x80, s2, s6, $0xb8;
	[tilespmem:$0x2080] =	vst v63  }
0x19: {  	_ =	swait.ge [sflag:s8], $0x2000  }
.Ltmp1:
0x1a: {  	[sflag:s8] =	ssyncset.done $0x0;
	(pc) =	sbr.rel @p0 .LBB2_1-.Ltmp1, $4  }
0x1b: {  	[sflag:s8] =	ssyncadd.s32 $0xFFFFE000  }
0x1c: {  	[hbm4b:s9+s2] =	stream.linear.scatter [tilespmem:s7], [sflag:$0x2], $0x2000, $0x38;
	[tilespmem:$0x2080] =	vst v63  }
0x1d: {  	_ =	swait.ge [sflag:s3], $0x2000  }
0x1e: {  	[sflag:s3] =	ssyncset.done $0x0  }
.LBB2_2:
0x1f: {  	[sflag:s3] =	ssyncadd.s32 $0xFFFFE000  }
0x20: {  	_ =	sfence.sel $0x180000  }
0x21: {  	[bflag:$0x0] =	sbarrier.arrive $0xFFFF  }
0x22: {  	p0 =	sne.s32 s0, $0x0;
	_ =	strace $0x9000004D  }
0x23: {  	s0 =	sadd.s32 @!p0 $0x100000, s1;
	[bflag:$0x2] =	sbarrier.arrive $0xFFFF  }
0x24: {  	[sflag:s0] =	ssyncadd.tile.s32 @!p0 $0x1;
	_ =	shalt  }
.Lfunc_end2:
_tile_overlayer_lowered:
.L_overlay_start_2:
0x25: {  	(tag) =	ssettag $0x2  }
0x26: {  	s0 =	rddreg [dreg:$0x0];
	s2 =	stileid.u32  }
0x27: {  	s1 =	rddreg [dreg:$0x1];
	p0 =	sne.s32 s2, $0x0  }
0x28: {  	s3 =	rddreg [dreg:$0x2];
	[bflag:$0x3] =	sbarrier.arrive $0xFFFF;
	s2 =	simm.s32 @!p0 $0x1C02  }
0x29: {  	[timem:s3], [sflag:s2] =	dma.local @!p0 [hbm:s0], s1  }
0x2a: {  	s0 =	simm.s32 @!p0 $0x2  }
0x2b: {  	_ =	swait.ge @!p0 [sflag:s0], s1  }
0x2c: {  	s1 =	ssub.s32 @!p0 $0x0, s1;
	[sflag:s0] =	ssyncset.done @!p0 $0x0  }
0x2d: {  	[sflag:s0] =	ssyncadd.s32 @!p0 s1  }
0x2e: {  	[bflag:$0x3] =	sbarrier.arrive $0xFFFF  }
0x2f: {  	_ =	shalt  }

// kernel: kernel.29.cloned.1.call-start
scs
__scs_entry_jumppad:
0x0: {  	(pc) =	sbr.rel $0x88, $3  }
0x1: {  	(tag) =	ssettag $0x0;
	lr =	simm.s32 $0x1  }
0x2: {  	[smem:$0x3F93] =	sst lr;
	_ =	strace $0xD0000000  }
0x3: {  	_ = 	snop  }
0x4: {  	_ = 	snop  }
0x5: {  	_ = 	snop  }
0x6: {  	_ = 	snop  }
0x7: {  	_ = 	snop  }
__scs_overlays_trampoline_lowered:
0x8: {  	[smem:$0x3FA2] =	sst s0  }
0x9: {  	[smem:$0x3FA3] =	sst s1  }
0xa: {  	[smem:$0x3FA4] =	sst s2  }
0xb: {  	[smem:$0x3FA5] =	sst s3  }
0xc: {  	[smem:$0x3FA6] =	sst s4  }
0xd: {  	[smem:$0x3FA7] =	sst s5  }
0xe: {  	[smem:$0x3FA8] =	sst s6  }
0xf: {  	[smem:$0x3FA9] =	sst s7  }
0x10: {  	[smem:$0x3FAA] =	sst s8  }
0x11: {  	[smem:$0x3FAB] =	sst s9;
	s0 =	simm.s32 @!p0 $0x0  }
0x12: {  	s1 =	sld [smem:$0x3F91];
	s0 =	simm.s32 @p0 $0x1  }
0x13: {  	[smem:$0x3FAC] =	sst s0;
	s0 =	simm.s32 @!p1 $0x0  }
0x14: {  	s2 =	sld [smem:$0x3F90];
	s0 =	simm.s32 @p1 $0x1  }
0x15: {  	[smem:$0x3FAD] =	sst s0;
	s0 =	simm.s32 @!p2 $0x0  }
0x16: {  	s3 =	sld [smem:$0x3FDB];
	s0 =	simm.s32 @p2 $0x1  }
0x17: {  	s4 =	simm.s32 $0x1BF5;
	[smem:$0x3FAF] =	sst s0  }
0x18: {  	s0 =	sld [smem:$0x3F92];
	_ =	swait.ge [sflag:s4], $0x0  }
0x19: {  	s7 =	sld [smem:$0x3F93]  }
0x1a: {  	s8 =	sadd.s32 $0xFFFFE003, lr  }
0x1b: {  	s9 =	sadd.s32 $0xFFFFFEF7, lr;
	s5 =	simm.s32 $0xFFFFFFFF;
	p2 =	slt.u32 s8, $0xFFFFF086  }
0x1c: {  	p1 =	slt.u32 s9, $0xF7A;
	s5 =	simm.s32 @!p2 $0x0  }
0x1d: {  	s5 =	simm.s32 @p1 $0x1;
	p0 =	seq.s32 s7, s2  }
0x1e: {  	s7 =	smul.u32 @!p0 $0xF7A, s2;
	p2 =	seq.s32 @!p0 s5, $0x0  }
0x1f: {  	s9 =	smul.u32 $0xF7A, s1;
	s8 =	simm.s32 @!p0 $0x1BF5;
	p2 =	por !p2, p0  }
0x20: {  	[sflag:s8] =	ssyncset.s32 @!p0 $0xFFFFF086;
	s6 =	sadd.s32 @!p0 s3, s7;
	s7 =	simm.s32 @!p0 $0x108  }
0x21: {  	s3 =	sadd.s32 s3, s9;
	s6 =	sadd.s32 @!p0 $0x88, s6;
	s7 =	simm.s32 @p2 $0x1082  }
0x22: {  	[simem:s7], [sflag:s8] =	dma.local @!p0 [hbm:s6], $0xF7A  }
0x23: {  	s9 =	sor.u32 $0xD0000000, s2;
	s6 =	simm.s32 $0x108;
	_ =	swait.ge @!p0 [sflag:s8], $0x0  }
0x24: {  	s3 =	sadd.s32 $0x88, s3;
	s6 =	simm.s32 @!p1 $0x1082;
	[sflag:s4] =	ssyncset.s32 $0xFFFFF086  }
0x25: {  	[simem:s6], [sflag:s4] =	dma.local [hbm:s3], $0xF7A  }
0x26: {  	[smem:$0x3F93] =	sst s1;
	(tag) =	ssettag s2;
	_ =	strace s9  }
0x27: {  	s1 =	sld [smem:$0x3FA3]  }
0x28: {  	s2 =	sld [smem:$0x3FA4]  }
0x29: {  	s4 =	sld [smem:$0x3FA6]  }
0x2a: {  	p0 =	seq.s32 s5, $0x0;
	s5 =	sld [smem:$0x3FA7]  }
0x2b: {  	s6 =	sld [smem:$0x3FA8]  }
0x2c: {  	s7 =	sld [smem:$0x3FA9]  }
0x2d: {  	s3 =	simm.s32 $0x108;
	s8 =	sld [smem:$0x3FAA]  }
0x2e: {  	s3 =	simm.s32 @!p0 $0x1082;
	s9 =	sld [smem:$0x3FAB]  }
0x2f: {  	lr =	sadd.s32 s0, s3;
	s0 =	sld [smem:$0x3FA2]  }
0x30: {  	s3 =	sld [smem:$0x3FA5]  }
0x31: {  	[smem:$0x3FAE] =	sst s10  }
0x32: {  	s10 =	sld [smem:$0x3FAC];
	_ =	sdelay $0x3  }
0x33: {  	p0 =	seq.s32 s10, $0x1;
	s10 =	sld [smem:$0x3FAE];
	_ =	sdelay $0x3  }
0x34: {  	[smem:$0x3FAE] =	sst s10  }
0x35: {  	s10 =	sld [smem:$0x3FAD];
	_ =	sdelay $0x3  }
0x36: {  	p1 =	seq.s32 s10, $0x1;
	s10 =	sld [smem:$0x3FAE];
	_ =	sdelay $0x3  }
0x37: {  	[smem:$0x3FAE] =	sst s10  }
0x38: {  	s10 =	sld [smem:$0x3FAF]  }
0x39: {  	_ = 	snop;
	(pc) =	sbr.ind lr, $3  }
0x3a: {  	_ = 	snop  }
0x3b: {  	_ = 	snop  }
0x3c: {  	p2 =	seq.s32 s10, $0x1;
	s10 =	sld [smem:$0x3FAE]  }
0x3d: {  	_ =	shalt  }
0x3e: {  	_ =	shalt  }
0x3f: {  	_ =	shalt  }
0x40: {  	_ =	shalt  }
0x41: {  	_ =	shalt  }
0x42: {  	_ =	shalt  }
0x43: {  	_ =	shalt  }
0x44: {  	_ =	shalt  }
0x45: {  	_ =	shalt  }
0x46: {  	_ =	shalt  }
0x47: {  	_ =	shalt  }
0x48: {  	_ =	shalt  }
0x49: {  	_ =	shalt  }
0x4a: {  	_ =	shalt  }
0x4b: {  	_ =	shalt  }
0x4c: {  	_ =	shalt  }
0x4d: {  	_ =	shalt  }
0x4e: {  	_ =	shalt  }
0x4f: {  	_ =	shalt  }
0x50: {  	_ =	shalt  }
0x51: {  	_ =	shalt  }
0x52: {  	_ =	shalt  }
0x53: {  	_ =	shalt  }
0x54: {  	_ =	shalt  }
0x55: {  	_ =	shalt  }
0x56: {  	_ =	shalt  }
0x57: {  	_ =	shalt  }
0x58: {  	_ =	shalt  }
0x59: {  	_ =	shalt  }
0x5a: {  	_ =	shalt  }
0x5b: {  	_ =	shalt  }
0x5c: {  	_ =	shalt  }
0x5d: {  	_ =	shalt  }
0x5e: {  	_ =	shalt  }
0x5f: {  	_ =	shalt  }
0x60: {  	_ =	shalt  }
0x61: {  	_ =	shalt  }
0x62: {  	_ =	shalt  }
0x63: {  	_ =	shalt  }
0x64: {  	_ =	shalt  }
0x65: {  	_ =	shalt  }
0x66: {  	_ =	shalt  }
0x67: {  	_ =	shalt  }
0x68: {  	_ =	shalt  }
0x69: {  	_ =	shalt  }
0x6a: {  	_ =	shalt  }
0x6b: {  	_ =	shalt  }
0x6c: {  	_ =	shalt  }
0x6d: {  	_ =	shalt  }
0x6e: {  	_ =	shalt  }
0x6f: {  	_ =	shalt  }
0x70: {  	_ =	shalt  }
0x71: {  	_ =	shalt  }
0x72: {  	_ =	shalt  }
0x73: {  	_ =	shalt  }
0x74: {  	_ =	shalt  }
0x75: {  	_ =	shalt  }
0x76: {  	_ =	shalt  }
0x77: {  	_ =	shalt  }
0x78: {  	_ =	shalt  }
0x79: {  	_ =	shalt  }
0x7a: {  	_ =	shalt  }
0x7b: {  	_ =	shalt  }
0x7c: {  	_ =	shalt  }
0x7d: {  	_ =	shalt  }
0x7e: {  	_ =	shalt  }
0x7f: {  	_ =	shalt  }
0x80: {  	_ =	shalt  }
0x81: {  	_ =	shalt  }
0x82: {  	_ =	shalt  }
0x83: {  	_ =	shalt  }
0x84: {  	_ =	shalt  }
0x85: {  	_ =	shalt  }
0x86: {  	_ =	shalt  }
0x87: {  	_ =	shalt  }
.Lfunc_end0:
.L_simem_size_0:
called_computation.3_lowered:
.L_overlay_start_0:
0x88: {  	s2 =	sld [smem:$0x3FD9]  }
0x89: {  	s3 =	sld [smem:$0x3FFE];
	_ =	sdelay $0x1  }
0x8a: {  	s1 =	srdreg.scid  }
0x8b: {  	s0 =	sand.u32 $0x1, s1  }
0x8c: {  	s15 =	sshll.u32 s0, $0xA;
	s2 =	sadd.s32 s3, s2  }
0x8d: {  	s2 =	sadd.s32 s2, s15  }
0x8e: {  	[smem:$0x3FBA] =	sst s2  }
0x8f: {  	_ = 	snop  }
0x90: {  	s2 =	sld [smem:$0x3FD0];
	_ =	sdelay $0x2  }
0x91: {  	s16 =	simm.s32 $0xB;
	s4 =	simm.s32 $0x10  }
0x92: {  	[smem:s4], [sflag:s16] =	dma.local [hbm:s2], $0x1  }
0x93: {  	_ =	swait.eq [sflag:s16], $0x1  }
0x94: {  	[sflag:s16] =	ssyncset.done $0x0  }
0x95: {  	[sflag:s16] =	ssyncadd.s32 $0xFFFFFFFF  }
0x96: {  	s17 =	sld [smem:$0x13];
	(tm) =	ssettm $0x1  }
0x97: {  	s18 =	sld [smem:$0x3FFB];
	_ =	sdelay $0x3  }
0x98: {  	_ =	strace s18  }
0x99: {  	s2 =	sld [smem:$0x3FFC];
	_ =	sdelay $0x3  }
0x9a: {  	_ =	strace s2  }
0x9b: {  	s2 =	sld [smem:$0x3FFD];
	_ =	sdelay $0x3  }
0x9c: {  	_ =	strace s2  }
0x9d: {  	_ =	strace $0x8FFFFFFF  }
0x9e: {  	s19 =	sld [smem:$0x3FDB];
	_ =	sdelay $0x1  }
0x9f: {  	s20 =	simm.s32 $_scs_section_size  }
0xa0: {  	s5 =	simm.s32 $_size__tile_overlayer_lowered;
	s6 =	simm.s32 $_tile_overlayer_lowered  }
0xa1: {  	s7 =	simm.s32 $0x1BFF;
	s21 =	sshll.u32 s6, $0x1;
	s4 =	sadd.s32 s20, s19  }
0xa2: {  	s22 =	simm.s32 $0x0;
	s5 =	sshll.u32 s5, $0x1;
	s6 =	sadd.s32 s21, s4  }
0xa3: {  	[timem:s22], [sflag:s7] =	dma.local [hbm:s6], s5  }
0xa4: {  	_ =	swait.ge [sflag:s7], s5  }
0xa5: {  	s5 =	ssub.s32 $0x0, s5;
	[sflag:s7] =	ssyncset.done $0x0  }
0xa6: {  	[sflag:s7] =	ssyncadd.s32 s5;
	_ =	sdelay $0x1  }
0xa7: {  	s23 =	simm.s32 $0x1B8B  }
0xa8: {  	_ =	swait.ge [sflag:s23], $0x1  }
0xa9: {  	[sflag:s23] =	ssyncset.done $0x0  }
0xaa: {  	[sflag:s23] =	ssyncadd.s32 $0xFFFFFFFF  }
0xab: {  	s5 =	sld [smem:$0x0]  }
0xac: {  	s6 =	sand.u32 $0xFFFFFFFE, s1  }
0xad: {  	p0 =	sne.s32 s1, s6  }
0xae: {  	s6 =	sshll.u32 @p0 s6, $0xE  }
0xaf: {  	s6 =	sadd.s32 @p0 $0x11B8D, s6;
	s7 =	sshll.u32 @p0 s5, $0x11  }
0xb0: {  	s6 =	sor.u32 @p0 s7, s6  }
0xb1: {  	[sflag:s6] =	ssyncadd.remote.s32 @p0 $0x1;
	_ =	sdelay $0x1  }
0xb2: {  	s6 =	simm.s32 @p0 $0x1B8D  }
0xb3: {  	_ =	swait.eq @p0 [sflag:s6], $0x1  }
0xb4: {  	[sflag:s6] =	ssyncadd.s32 @p0 $0xFFFFFFFF  }
0xb5: {  	s7 =	sshll.u32 @!p0 s1, $0xE  }
0xb6: {  	s7 =	sor.u32 @!p0 $0x4000, s7;
	s6 =	simm.s32 @!p0 $0x1B8D  }
0xb7: {  	s5 =	sshll.u32 @!p0 s5, $0x11;
	s7 =	sadd.s32 @!p0 $0x11B8D, s7;
	_ =	swait.eq @!p0 [sflag:s6], $0x1  }
0xb8: {  	s5 =	sor.u32 @!p0 s5, s7;
	[sflag:s6] =	ssyncadd.s32 @!p0 $0xFFFFFFFF  }
0xb9: {  	s25 =	simm.s32 $0x1B8E;
	s24 =	sld [smem:$0x3FFE];
	[sflag:s5] =	ssyncadd.remote.s32 @!p0 $0x1  }
0xba: {  	s26 =	simm.s32 $execute0_lowered;
	[smem:$0x3FD2] =	sst s25  }
0xbb: {  	s6 =	sshll.u32 s26, $0x1;
	_ =	strace $0x8000004F;
	[dreg:$0x1] =	wrdreg $0xFFFFFFFF  }
0xbc: {  	s28 =	simm.s32 $_size_execute0_lowered;
	s4 =	sadd.s32 s4, s6;
	[dreg:$0x0] =	wrdreg $0x0  }
0xbd: {  	s6 =	sshll.u32 s28, $0x1;
	[dreg:$0x2] =	wrdreg s4  }
0xbe: {  	[dreg:$0x3] =	wrdreg s6  }
0xbf: {  	[dreg:$0x4] =	wrdreg $0xC0  }
0xc0: {  	_ =	task [dreg:s22], $0x5FFFF  }
0xc1: {  	[dreg:$0x1] =	wrdreg $0xFFFFFFFF  }
0xc2: {  	[dreg:$0x0] =	wrdreg $0x60  }
0xc3: {  	[dreg:$0x2] =	wrdreg s24  }
0xc4: {  	[dreg:$0x3] =	wrdreg s17  }
0xc5: {  	[dreg:$0x4] =	wrdreg $0x9  }
0xc6: {  	_ =	task.clear_ibuf [dreg:s22], $0x5FFFF;
	_ =	strace $0x9000004F  }
0xc7: {  	s29 =	simm.s32 $0x9;
	_ =	strace $0x80000051  }
0xc8: {  	_ =	swait.ge [sflag:s29], $0x1  }
0xc9: {  	[sflag:s29] =	ssyncadd.s32 $0xFFFFFFFF  }
0xca: {  	_ =	strace $0x90000051  }
0xcb: {  	_ =	sfence  }
0xcc: {  	s30 =	sld [smem:$0x0];
	_ =	sdelay $0x2  }
0xcd: {  	s31 =	sshll.u32 s1, $0xD;
	s1 =	sshrl.u32 s1, $0x2  }
0xce: {  	s4 =	sand.u32 $0x4000, s31;
	s1 =	sadd.s32 s1, s30  }
0xcf: {  	s0 =	sor.u32 s4, s0;
	s1 =	sshll.u32 s1, $0x11  }
0xd0: {  	s0 =	sor.u32 s1, s0  }
0xd1: {  	s0 =	sadd.s32 $0x8F2B, s0  }
0xd2: {  	[sflag:s0] =	ssyncadd.remote.s32 $0x1  }
0xd3: {  	_ =	sfence.sel $0xFFFF  }
0xd4: {  	[dreg:$0x0] =	wrdreg $0xFFFFFFFF;
	(pc) =	sbr.abs _section_cstart, $3  }
0xd5: {  	[dreg:$0x1] =	wrdreg $0xFFFFFFFF  }
0xd6: {  	_ =	task.clear_ibuf [dreg:s22], $0x2FFFF;
	_ =	strace $0x9FFFFFFF  }
0xd7: {  	(tm) =	ssettm $0x7FFFFFFF  }
tec
execute0_lowered:
.L_overlay_start_1:
0x0: {  	(tag) =	ssettag $0x1  }
0x1: {  	s1 =	srdreg.scid;
	s9 =	rddreg [dreg:$0x0]  }
0x2: {  	s0 =	stileid.u32;
	s3 =	rddreg [dreg:$0x1]  }
0x3: {  	s2 =	simm.s32 $0x0;
	s7 =	simm.s32 $0x80;
	s6 =	sand.u32 $0x1, s1  }
0x4: {  	s4 =	sshll.u32 s0, $0x7;
	s1 =	rddreg [dreg:$0x2];
	s5 =	sshll.u32 s6, $0x6  }
0x5: {  	s8 =	simm.s32 $0x1;
	[smem:$0x7FF] =	sst s2;
	s10 =	sor.u32 s5, s4  }
0x6: {  	_ =	strace $0x80000050;
	s11 =	ssub.s32 $0x2, s6;
	s4 =	sshrl.u32 s10, $0x3  }
0x7: {  	s6 =	simm.s32 $0x40;
	s4 =	sadd.s32 s3, s4;
	s3 =	simm.s32 $0x2  }
0x8: {  	[tilespmem:s2], [sflag:$0x2] =	stream.linear.gather [hbm4b:s4+s2], $0x40, $0x38;
	[tilespmem:$0x2080] =	vst v63  }
0x9: {  	s5 =	sadd.s32 $0xA2E00, s9;
	s12 =	sshrl.u32 s11, $0x1;
	_ =	swait.ge [sflag:s3], $0x40  }
0xa: {  	s10 =	sshll.u32 s10, $0x4;
	s31 =	ssub.s32 s11, s12;
	[sflag:s3] =	ssyncset.done $0x0  }
0xb: {  	s9 =	sadd.s32 s10, s9;
	s10 =	smax.u32 s31, $0x1;
	[sflag:s3] =	ssyncadd.s32 $0xFFFFFFC0  }
0xc: {  	[tilespmem:s7], [sflag:$0x1] =	stream.indirect.gather [hbm4b:s5+s6], $0x80, s2, s6, $0xb8;
	[tilespmem:$0x2080] =	vst v63  }
0xd: {  	p0 =	sne.s32 s10, $0x1;
	_ =	swait.ge [sflag:s8], $0x2000  }
.Ltmp0:
0xe: {  	[sflag:s8] =	ssyncset.done $0x0;
	(pc) =	sbr.rel @!p0 .LBB2_2-.Ltmp0, $4  }
0xf: {  	s9 =	sadd.s32 $0xB000, s9;
	[sflag:s8] =	ssyncadd.s32 $0xFFFFE000  }
0x10: {  	[hbm4b:s9+s2] =	stream.linear.scatter [tilespmem:s7], [sflag:$0x2], $0x2000, $0x38;
	[tilespmem:$0x2080] =	vst v63  }
0x11: {  	_ =	swait.ge [sflag:s3], $0x2000  }
0x12: {  	s10 =	sadd.s32 $0xFFFFFFFF, s10;
	[sflag:s3] =	ssyncset.done $0x0  }
.LBB2_1:
0x13: {  	p0 =	sne.s32 s10, $0x1;
	s10 =	sadd.s32 $0xFFFFFFFF, s10;
	[sflag:s3] =	ssyncadd.s32 $0xFFFFE000  }
0x14: {  	[tilespmem:s2], [sflag:$0x2] =	stream.linear.gather [hbm4b:s4+s2], $0x40, $0x38;
	[tilespmem:$0x2080] =	vst v63  }
0x15: {  	_ =	swait.ge [sflag:s3], $0x40  }
0x16: {  	[sflag:s3] =	ssyncset.done $0x0  }
0x17: {  	[sflag:s3] =	ssyncadd.s32 $0xFFFFFFC0  }
0x18: {  	[tilespmem:s7], [sflag:$0x1] =	stream.indirect.gather [hbm4b:s5+s6], $0x80, s2, s6, $0xb8;
	[tilespmem:$0x2080] =	vst v63  }
0x19: {  	_ =	swait.ge [sflag:s8], $0x2000  }
.Ltmp1:
0x1a: {  	[sflag:s8] =	ssyncset.done $0x0;
	(pc) =	sbr.rel @p0 .LBB2_1-.Ltmp1, $4  }
0x1b: {  	[sflag:s8] =	ssyncadd.s32 $0xFFFFE000  }
0x1c: {  	[hbm4b:s9+s2] =	stream.linear.scatter [tilespmem:s7], [sflag:$0x2], $0x2000, $0x38;
	[tilespmem:$0x2080] =	vst v63  }
0x1d: {  	_ =	swait.ge [sflag:s3], $0x2000  }
0x1e: {  	[sflag:s3] =	ssyncset.done $0x0  }
.LBB2_2:
0x1f: {  	[sflag:s3] =	ssyncadd.s32 $0xFFFFE000  }
0x20: {  	_ =	sfence.sel $0x180000  }
0x21: {  	[bflag:$0x0] =	sbarrier.arrive $0xFFFF  }
0x22: {  	p0 =	sne.s32 s0, $0x0;
	_ =	strace $0x90000050  }
0x23: {  	s0 =	sadd.s32 @!p0 $0x100000, s1;
	[bflag:$0x2] =	sbarrier.arrive $0xFFFF  }
0x24: {  	[sflag:s0] =	ssyncadd.tile.s32 @!p0 $0x1;
	_ =	shalt  }
.Lfunc_end2:
_tile_overlayer_lowered:
.L_overlay_start_2:
0x25: {  	(tag) =	ssettag $0x2  }
0x26: {  	s0 =	rddreg [dreg:$0x0];
	s2 =	stileid.u32  }
0x27: {  	s1 =	rddreg [dreg:$0x1];
	p0 =	sne.s32 s2, $0x0  }
0x28: {  	s3 =	rddreg [dreg:$0x2];
	[bflag:$0x3] =	sbarrier.arrive $0xFFFF;
	s2 =	simm.s32 @!p0 $0x1C02  }
0x29: {  	[timem:s3], [sflag:s2] =	dma.local @!p0 [hbm:s0], s1  }
0x2a: {  	s0 =	simm.s32 @!p0 $0x2  }
0x2b: {  	_ =	swait.ge @!p0 [sflag:s0], s1  }
0x2c: {  	s1 =	ssub.s32 @!p0 $0x0, s1;
	[sflag:s0] =	ssyncset.done @!p0 $0x0  }
0x2d: {  	[sflag:s0] =	ssyncadd.s32 @!p0 s1  }
0x2e: {  	[bflag:$0x3] =	sbarrier.arrive $0xFFFF  }
0x2f: {  	_ =	shalt  }

// kernel: kernel.32.cloned.1.call-start
scs
__scs_entry_jumppad:
0x0: {  	(pc) =	sbr.rel $0x88, $3  }
0x1: {  	(tag) =	ssettag $0x0;
	lr =	simm.s32 $0x1  }
0x2: {  	[smem:$0x3F93] =	sst lr;
	_ =	strace $0xD0000000  }
0x3: {  	_ = 	snop  }
0x4: {  	_ = 	snop  }
0x5: {  	_ = 	snop  }
0x6: {  	_ = 	snop  }
0x7: {  	_ = 	snop  }
__scs_overlays_trampoline_lowered:
0x8: {  	[smem:$0x3FA2] =	sst s0  }
0x9: {  	[smem:$0x3FA3] =	sst s1  }
0xa: {  	[smem:$0x3FA4] =	sst s2  }
0xb: {  	[smem:$0x3FA5] =	sst s3  }
0xc: {  	[smem:$0x3FA6] =	sst s4  }
0xd: {  	[smem:$0x3FA7] =	sst s5  }
0xe: {  	[smem:$0x3FA8] =	sst s6  }
0xf: {  	[smem:$0x3FA9] =	sst s7  }
0x10: {  	[smem:$0x3FAA] =	sst s8  }
0x11: {  	[smem:$0x3FAB] =	sst s9;
	s0 =	simm.s32 @!p0 $0x0  }
0x12: {  	s1 =	sld [smem:$0x3F91];
	s0 =	simm.s32 @p0 $0x1  }
0x13: {  	[smem:$0x3FAC] =	sst s0;
	s0 =	simm.s32 @!p1 $0x0  }
0x14: {  	s2 =	sld [smem:$0x3F90];
	s0 =	simm.s32 @p1 $0x1  }
0x15: {  	[smem:$0x3FAD] =	sst s0;
	s0 =	simm.s32 @!p2 $0x0  }
0x16: {  	s3 =	sld [smem:$0x3FDB];
	s0 =	simm.s32 @p2 $0x1  }
0x17: {  	s4 =	simm.s32 $0x1BF5;
	[smem:$0x3FAF] =	sst s0  }
0x18: {  	s0 =	sld [smem:$0x3F92];
	_ =	swait.ge [sflag:s4], $0x0  }
0x19: {  	s7 =	sld [smem:$0x3F93]  }
0x1a: {  	s8 =	sadd.s32 $0xFFFFE003, lr  }
0x1b: {  	s9 =	sadd.s32 $0xFFFFFEF7, lr;
	s5 =	simm.s32 $0xFFFFFFFF;
	p2 =	slt.u32 s8, $0xFFFFF086  }
0x1c: {  	p1 =	slt.u32 s9, $0xF7A;
	s5 =	simm.s32 @!p2 $0x0  }
0x1d: {  	s5 =	simm.s32 @p1 $0x1;
	p0 =	seq.s32 s7, s2  }
0x1e: {  	s7 =	smul.u32 @!p0 $0xF7A, s2;
	p2 =	seq.s32 @!p0 s5, $0x0  }
0x1f: {  	s9 =	smul.u32 $0xF7A, s1;
	s8 =	simm.s32 @!p0 $0x1BF5;
	p2 =	por !p2, p0  }
0x20: {  	[sflag:s8] =	ssyncset.s32 @!p0 $0xFFFFF086;
	s6 =	sadd.s32 @!p0 s3, s7;
	s7 =	simm.s32 @!p0 $0x108  }
0x21: {  	s3 =	sadd.s32 s3, s9;
	s6 =	sadd.s32 @!p0 $0x88, s6;
	s7 =	simm.s32 @p2 $0x1082  }
0x22: {  	[simem:s7], [sflag:s8] =	dma.local @!p0 [hbm:s6], $0xF7A  }
0x23: {  	s9 =	sor.u32 $0xD0000000, s2;
	s6 =	simm.s32 $0x108;
	_ =	swait.ge @!p0 [sflag:s8], $0x0  }
0x24: {  	s3 =	sadd.s32 $0x88, s3;
	s6 =	simm.s32 @!p1 $0x1082;
	[sflag:s4] =	ssyncset.s32 $0xFFFFF086  }
0x25: {  	[simem:s6], [sflag:s4] =	dma.local [hbm:s3], $0xF7A  }
0x26: {  	[smem:$0x3F93] =	sst s1;
	(tag) =	ssettag s2;
	_ =	strace s9  }
0x27: {  	s1 =	sld [smem:$0x3FA3]  }
0x28: {  	s2 =	sld [smem:$0x3FA4]  }
0x29: {  	s4 =	sld [smem:$0x3FA6]  }
0x2a: {  	p0 =	seq.s32 s5, $0x0;
	s5 =	sld [smem:$0x3FA7]  }
0x2b: {  	s6 =	sld [smem:$0x3FA8]  }
0x2c: {  	s7 =	sld [smem:$0x3FA9]  }
0x2d: {  	s3 =	simm.s32 $0x108;
	s8 =	sld [smem:$0x3FAA]  }
0x2e: {  	s3 =	simm.s32 @!p0 $0x1082;
	s9 =	sld [smem:$0x3FAB]  }
0x2f: {  	lr =	sadd.s32 s0, s3;
	s0 =	sld [smem:$0x3FA2]  }
0x30: {  	s3 =	sld [smem:$0x3FA5]  }
0x31: {  	[smem:$0x3FAE] =	sst s10  }
0x32: {  	s10 =	sld [smem:$0x3FAC];
	_ =	sdelay $0x3  }
0x33: {  	p0 =	seq.s32 s10, $0x1;
	s10 =	sld [smem:$0x3FAE];
	_ =	sdelay $0x3  }
0x34: {  	[smem:$0x3FAE] =	sst s10  }
0x35: {  	s10 =	sld [smem:$0x3FAD];
	_ =	sdelay $0x3  }
0x36: {  	p1 =	seq.s32 s10, $0x1;
	s10 =	sld [smem:$0x3FAE];
	_ =	sdelay $0x3  }
0x37: {  	[smem:$0x3FAE] =	sst s10  }
0x38: {  	s10 =	sld [smem:$0x3FAF]  }
0x39: {  	_ = 	snop;
	(pc) =	sbr.ind lr, $3  }
0x3a: {  	_ = 	snop  }
0x3b: {  	_ = 	snop  }
0x3c: {  	p2 =	seq.s32 s10, $0x1;
	s10 =	sld [smem:$0x3FAE]  }
0x3d: {  	_ =	shalt  }
0x3e: {  	_ =	shalt  }
0x3f: {  	_ =	shalt  }
0x40: {  	_ =	shalt  }
0x41: {  	_ =	shalt  }
0x42: {  	_ =	shalt  }
0x43: {  	_ =	shalt  }
0x44: {  	_ =	shalt  }
0x45: {  	_ =	shalt  }
0x46: {  	_ =	shalt  }
0x47: {  	_ =	shalt  }
0x48: {  	_ =	shalt  }
0x49: {  	_ =	shalt  }
0x4a: {  	_ =	shalt  }
0x4b: {  	_ =	shalt  }
0x4c: {  	_ =	shalt  }
0x4d: {  	_ =	shalt  }
0x4e: {  	_ =	shalt  }
0x4f: {  	_ =	shalt  }
0x50: {  	_ =	shalt  }
0x51: {  	_ =	shalt  }
0x52: {  	_ =	shalt  }
0x53: {  	_ =	shalt  }
0x54: {  	_ =	shalt  }
0x55: {  	_ =	shalt  }
0x56: {  	_ =	shalt  }
0x57: {  	_ =	shalt  }
0x58: {  	_ =	shalt  }
0x59: {  	_ =	shalt  }
0x5a: {  	_ =	shalt  }
0x5b: {  	_ =	shalt  }
0x5c: {  	_ =	shalt  }
0x5d: {  	_ =	shalt  }
0x5e: {  	_ =	shalt  }
0x5f: {  	_ =	shalt  }
0x60: {  	_ =	shalt  }
0x61: {  	_ =	shalt  }
0x62: {  	_ =	shalt  }
0x63: {  	_ =	shalt  }
0x64: {  	_ =	shalt  }
0x65: {  	_ =	shalt  }
0x66: {  	_ =	shalt  }
0x67: {  	_ =	shalt  }
0x68: {  	_ =	shalt  }
0x69: {  	_ =	shalt  }
0x6a: {  	_ =	shalt  }
0x6b: {  	_ =	shalt  }
0x6c: {  	_ =	shalt  }
0x6d: {  	_ =	shalt  }
0x6e: {  	_ =	shalt  }
0x6f: {  	_ =	shalt  }
0x70: {  	_ =	shalt  }
0x71: {  	_ =	shalt  }
0x72: {  	_ =	shalt  }
0x73: {  	_ =	shalt  }
0x74: {  	_ =	shalt  }
0x75: {  	_ =	shalt  }
0x76: {  	_ =	shalt  }
0x77: {  	_ =	shalt  }
0x78: {  	_ =	shalt  }
0x79: {  	_ =	shalt  }
0x7a: {  	_ =	shalt  }
0x7b: {  	_ =	shalt  }
0x7c: {  	_ =	shalt  }
0x7d: {  	_ =	shalt  }
0x7e: {  	_ =	shalt  }
0x7f: {  	_ =	shalt  }
0x80: {  	_ =	shalt  }
0x81: {  	_ =	shalt  }
0x82: {  	_ =	shalt  }
0x83: {  	_ =	shalt  }
0x84: {  	_ =	shalt  }
0x85: {  	_ =	shalt  }
0x86: {  	_ =	shalt  }
0x87: {  	_ =	shalt  }
.Lfunc_end0:
.L_simem_size_0:
called_computation.4_lowered:
.L_overlay_start_0:
0x88: {  	s2 =	sld [smem:$0x3FD9]  }
0x89: {  	s3 =	sld [smem:$0x3FFE];
	_ =	sdelay $0x1  }
0x8a: {  	s1 =	srdreg.scid  }
0x8b: {  	s0 =	sand.u32 $0x1, s1  }
0x8c: {  	s17 =	sshll.u32 s0, $0xA;
	s2 =	sadd.s32 s3, s2  }
0x8d: {  	s2 =	sadd.s32 s2, s17  }
0x8e: {  	[smem:$0x3FBA] =	sst s2  }
0x8f: {  	_ = 	snop  }
0x90: {  	(tm) =	ssettm $0x1  }
0x91: {  	s18 =	sld [smem:$0x3FFB];
	_ =	sdelay $0x3  }
0x92: {  	_ =	strace s18  }
0x93: {  	s2 =	sld [smem:$0x3FFC];
	_ =	sdelay $0x3  }
0x94: {  	_ =	strace s2  }
0x95: {  	s2 =	sld [smem:$0x3FFD];
	_ =	sdelay $0x3  }
0x96: {  	_ =	strace s2  }
0x97: {  	_ =	strace $0x8FFFFFFF  }
0x98: {  	s19 =	sld [smem:$0x3FDB];
	_ =	sdelay $0x1  }
0x99: {  	s20 =	simm.s32 $_scs_section_size  }
0x9a: {  	s4 =	simm.s32 $_size__tile_overlayer_lowered;
	s5 =	simm.s32 $_tile_overlayer_lowered  }
0x9b: {  	s6 =	simm.s32 $0x1BFF;
	s21 =	sshll.u32 s5, $0x1;
	s3 =	sadd.s32 s20, s19  }
0x9c: {  	s22 =	simm.s32 $0x0;
	s4 =	sshll.u32 s4, $0x1;
	s5 =	sadd.s32 s21, s3  }
0x9d: {  	[timem:s22], [sflag:s6] =	dma.local [hbm:s5], s4  }
0x9e: {  	_ =	swait.ge [sflag:s6], s4  }
0x9f: {  	s4 =	ssub.s32 $0x0, s4;
	[sflag:s6] =	ssyncset.done $0x0  }
0xa0: {  	[sflag:s6] =	ssyncadd.s32 s4;
	_ =	sdelay $0x1  }
0xa1: {  	s23 =	simm.s32 $0x1B8B  }
0xa2: {  	_ =	swait.ge [sflag:s23], $0x1  }
0xa3: {  	[sflag:s23] =	ssyncset.done $0x0  }
0xa4: {  	[sflag:s23] =	ssyncadd.s32 $0xFFFFFFFF  }
0xa5: {  	s4 =	sld [smem:$0x0]  }
0xa6: {  	s5 =	sand.u32 $0xFFFFFFFE, s1  }
0xa7: {  	p0 =	sne.s32 s1, s5  }
0xa8: {  	s5 =	sshll.u32 @p0 s5, $0xE  }
0xa9: {  	s5 =	sadd.s32 @p0 $0x11B8D, s5;
	s6 =	sshll.u32 @p0 s4, $0x11  }
0xaa: {  	s5 =	sor.u32 @p0 s6, s5  }
0xab: {  	[sflag:s5] =	ssyncadd.remote.s32 @p0 $0x1;
	_ =	sdelay $0x1  }
0xac: {  	s5 =	simm.s32 @p0 $0x1B8D  }
0xad: {  	_ =	swait.eq @p0 [sflag:s5], $0x1  }
0xae: {  	[sflag:s5] =	ssyncadd.s32 @p0 $0xFFFFFFFF  }
0xaf: {  	s6 =	sshll.u32 @!p0 s1, $0xE  }
0xb0: {  	s6 =	sor.u32 @!p0 $0x4000, s6;
	s5 =	simm.s32 @!p0 $0x1B8D  }
0xb1: {  	s4 =	sshll.u32 @!p0 s4, $0x11;
	s6 =	sadd.s32 @!p0 $0x11B8D, s6;
	_ =	swait.eq @!p0 [sflag:s5], $0x1  }
0xb2: {  	s4 =	sor.u32 @!p0 s4, s6;
	[sflag:s5] =	ssyncadd.s32 @!p0 $0xFFFFFFFF  }
0xb3: {  	s25 =	simm.s32 $0x1B8E;
	s24 =	sld [smem:$0x3FFE];
	[sflag:s4] =	ssyncadd.remote.s32 @!p0 $0x1  }
0xb4: {  	s26 =	simm.s32 $execute0_lowered;
	[smem:$0x3FD2] =	sst s25  }
0xb5: {  	s5 =	sshll.u32 s26, $0x1;
	_ =	strace $0x80000052;
	[dreg:$0x1] =	wrdreg $0xFFFFFFFF  }
0xb6: {  	s28 =	simm.s32 $_size_execute0_lowered;
	s3 =	sadd.s32 s3, s5;
	[dreg:$0x0] =	wrdreg $0x0  }
0xb7: {  	s5 =	sshll.u32 s28, $0x1;
	[dreg:$0x2] =	wrdreg s3  }
0xb8: {  	[dreg:$0x3] =	wrdreg s5  }
0xb9: {  	[dreg:$0x4] =	wrdreg $0xC0  }
0xba: {  	_ =	task [dreg:s22], $0x5FFFF  }
0xbb: {  	[dreg:$0x1] =	wrdreg $0xFFFFFFFF  }
0xbc: {  	[dreg:$0x0] =	wrdreg $0x60  }
0xbd: {  	[dreg:$0x2] =	wrdreg s24  }
0xbe: {  	[dreg:$0x3] =	wrdreg $0xA  }
0xbf: {  	_ =	task.clear_ibuf [dreg:s22], $0x4FFFF;
	_ =	strace $0x90000052  }
0xc0: {  	s29 =	simm.s32 $0xA;
	_ =	strace $0x80000054  }
0xc1: {  	_ =	swait.ge [sflag:s29], $0x1  }
0xc2: {  	[sflag:s29] =	ssyncadd.s32 $0xFFFFFFFF  }
0xc3: {  	_ =	strace $0x90000054  }
0xc4: {  	_ =	sfence  }
0xc5: {  	s30 =	sld [smem:$0x0];
	_ =	sdelay $0x2  }
0xc6: {  	s31 =	sshll.u32 s1, $0xD;
	s1 =	sshrl.u32 s1, $0x2  }
0xc7: {  	s4 =	sand.u32 $0x4000, s31;
	s1 =	sadd.s32 s1, s30  }
0xc8: {  	s0 =	sor.u32 s4, s0;
	s1 =	sshll.u32 s1, $0x11  }
0xc9: {  	s0 =	sor.u32 s1, s0  }
0xca: {  	s0 =	sadd.s32 $0x8F2B, s0  }
0xcb: {  	[sflag:s0] =	ssyncadd.remote.s32 $0x1  }
0xcc: {  	_ =	sfence.sel $0xFFFF  }
0xcd: {  	[dreg:$0x0] =	wrdreg $0xFFFFFFFF;
	(pc) =	sbr.abs _section_cstart, $3  }
0xce: {  	[dreg:$0x1] =	wrdreg $0xFFFFFFFF  }
0xcf: {  	_ =	task.clear_ibuf [dreg:s22], $0x2FFFF;
	_ =	strace $0x9FFFFFFF  }
0xd0: {  	(tm) =	ssettm $0x7FFFFFFF  }
0xd1: {  	_ =	shalt  }
tec
execute0_lowered:
.L_overlay_start_1:
0x0: {  	(tag) =	ssettag $0x1  }
0x1: {  	s1 =	srdreg.scid  }
0x2: {  	s0 =	stileid.u32;
	s9 =	rddreg [dreg:$0x0];
	s6 =	sand.u32 $0x1, s1  }
0x3: {  	s7 =	simm.s32 $0x80;
	s30 =	sshll.u32 s0, $0x7;
	s2 =	sshll.u32 s6, $0x6  }
0x4: {  	s8 =	simm.s32 $0x1;
	s1 =	rddreg [dreg:$0x1];
	s10 =	sor.u32 s2, s30  }
0x5: {  	s5 =	sadd.s32 $0xC2E00, s9;
	s2 =	simm.s32 $0x0;
	s3 =	sshrl.u32 s10, $0x3  }
0x6: {  	s11 =	ssub.s32 $0x2, s6;
	[smem:$0x7FF] =	sst s2;
	s3 =	sadd.s32 s3, s9  }
0x7: {  	_ =	strace $0x80000053;
	s4 =	sadd.s32 $0x2E00, s3;
	s3 =	simm.s32 $0x2  }
0x8: {  	[tilespmem:s2], [sflag:$0x2] =	stream.linear.gather [hbm4b:s4+s2], $0x40, $0x38;
	[tilespmem:$0x2080] =	vst v63  }
0x9: {  	s6 =	simm.s32 $0x40;
	s12 =	sshrl.u32 s11, $0x1;
	_ =	swait.ge [sflag:s3], $0x40  }
0xa: {  	s10 =	sshll.u32 s10, $0x4;
	s31 =	ssub.s32 s11, s12;
	[sflag:s3] =	ssyncset.done $0x0  }
0xb: {  	s9 =	sadd.s32 s10, s9;
	s10 =	smax.u32 s31, $0x1;
	[sflag:s3] =	ssyncadd.s32 $0xFFFFFFC0  }
0xc: {  	[tilespmem:s7], [sflag:$0x1] =	stream.indirect.gather [hbm4b:s5+s6], $0x80, s2, s6, $0xb8;
	[tilespmem:$0x2080] =	vst v63  }
0xd: {  	p0 =	sne.s32 s10, $0x1;
	_ =	swait.ge [sflag:s8], $0x2000  }
.Ltmp0:
0xe: {  	[sflag:s8] =	ssyncset.done $0x0;
	(pc) =	sbr.rel @!p0 .LBB2_2-.Ltmp0, $4  }
0xf: {  	s9 =	sadd.s32 $0x3000, s9;
	[sflag:s8] =	ssyncadd.s32 $0xFFFFE000  }
0x10: {  	[hbm4b:s9+s2] =	stream.linear.scatter [tilespmem:s7], [sflag:$0x2], $0x2000, $0x38;
	[tilespmem:$0x2080] =	vst v63  }
0x11: {  	_ =	swait.ge [sflag:s3], $0x2000  }
0x12: {  	s10 =	sadd.s32 $0xFFFFFFFF, s10;
	[sflag:s3] =	ssyncset.done $0x0  }
.LBB2_1:
0x13: {  	p0 =	sne.s32 s10, $0x1;
	s10 =	sadd.s32 $0xFFFFFFFF, s10;
	[sflag:s3] =	ssyncadd.s32 $0xFFFFE000  }
0x14: {  	[tilespmem:s2], [sflag:$0x2] =	stream.linear.gather [hbm4b:s4+s2], $0x40, $0x38;
	[tilespmem:$0x2080] =	vst v63  }
0x15: {  	_ =	swait.ge [sflag:s3], $0x40  }
0x16: {  	[sflag:s3] =	ssyncset.done $0x0  }
0x17: {  	[sflag:s3] =	ssyncadd.s32 $0xFFFFFFC0  }
0x18: {  	[tilespmem:s7], [sflag:$0x1] =	stream.indirect.gather [hbm4b:s5+s6], $0x80, s2, s6, $0xb8;
	[tilespmem:$0x2080] =	vst v63  }
0x19: {  	_ =	swait.ge [sflag:s8], $0x2000  }
.Ltmp1:
0x1a: {  	[sflag:s8] =	ssyncset.done $0x0;
	(pc) =	sbr.rel @p0 .LBB2_1-.Ltmp1, $4  }
0x1b: {  	[sflag:s8] =	ssyncadd.s32 $0xFFFFE000  }
0x1c: {  	[hbm4b:s9+s2] =	stream.linear.scatter [tilespmem:s7], [sflag:$0x2], $0x2000, $0x38;
	[tilespmem:$0x2080] =	vst v63  }
0x1d: {  	_ =	swait.ge [sflag:s3], $0x2000  }
0x1e: {  	[sflag:s3] =	ssyncset.done $0x0  }
.LBB2_2:
0x1f: {  	[sflag:s3] =	ssyncadd.s32 $0xFFFFE000  }
0x20: {  	_ =	sfence.sel $0x180000  }
0x21: {  	[bflag:$0x0] =	sbarrier.arrive $0xFFFF  }
0x22: {  	p0 =	sne.s32 s0, $0x0;
	_ =	strace $0x90000053  }
0x23: {  	s0 =	sadd.s32 @!p0 $0x100000, s1;
	[bflag:$0x2] =	sbarrier.arrive $0xFFFF  }
0x24: {  	[sflag:s0] =	ssyncadd.tile.s32 @!p0 $0x1;
	_ =	shalt  }
.Lfunc_end2:
_tile_overlayer_lowered:
.L_overlay_start_2:
0x25: {  	(tag) =	ssettag $0x2  }
0x26: {  	s0 =	rddreg [dreg:$0x0];
	s2 =	stileid.u32  }
0x27: {  	s1 =	rddreg [dreg:$0x1];
	p0 =	sne.s32 s2, $0x0  }
0x28: {  	s3 =	rddreg [dreg:$0x2];
	[bflag:$0x3] =	sbarrier.arrive $0xFFFF;
	s2 =	simm.s32 @!p0 $0x1C02  }
0x29: {  	[timem:s3], [sflag:s2] =	dma.local @!p0 [hbm:s0], s1  }
0x2a: {  	s0 =	simm.s32 @!p0 $0x2  }
0x2b: {  	_ =	swait.ge @!p0 [sflag:s0], s1  }
0x2c: {  	s1 =	ssub.s32 @!p0 $0x0, s1;
	[sflag:s0] =	ssyncset.done @!p0 $0x0  }
0x2d: {  	[sflag:s0] =	ssyncadd.s32 @!p0 s1  }
0x2e: {  	[bflag:$0x3] =	sbarrier.arrive $0xFFFF  }
0x2f: {  	_ =	shalt  }

// kernel: kernel.35.cloned.1.call-start
scs
__scs_entry_jumppad:
0x0: {  	(pc) =	sbr.rel $0x88, $3  }
0x1: {  	(tag) =	ssettag $0x0;
	lr =	simm.s32 $0x1  }
0x2: {  	[smem:$0x3F93] =	sst lr;
	_ =	strace $0xD0000000  }
0x3: {  	_ = 	snop  }
0x4: {  	_ = 	snop  }
0x5: {  	_ = 	snop  }
0x6: {  	_ = 	snop  }
0x7: {  	_ = 	snop  }
__scs_overlays_trampoline_lowered:
0x8: {  	[smem:$0x3FA2] =	sst s0  }
0x9: {  	[smem:$0x3FA3] =	sst s1  }
0xa: {  	[smem:$0x3FA4] =	sst s2  }
0xb: {  	[smem:$0x3FA5] =	sst s3  }
0xc: {  	[smem:$0x3FA6] =	sst s4  }
0xd: {  	[smem:$0x3FA7] =	sst s5  }
0xe: {  	[smem:$0x3FA8] =	sst s6  }
0xf: {  	[smem:$0x3FA9] =	sst s7  }
0x10: {  	[smem:$0x3FAA] =	sst s8  }
0x11: {  	[smem:$0x3FAB] =	sst s9;
	s0 =	simm.s32 @!p0 $0x0  }
0x12: {  	s1 =	sld [smem:$0x3F91];
	s0 =	simm.s32 @p0 $0x1  }
0x13: {  	[smem:$0x3FAC] =	sst s0;
	s0 =	simm.s32 @!p1 $0x0  }
0x14: {  	s2 =	sld [smem:$0x3F90];
	s0 =	simm.s32 @p1 $0x1  }
0x15: {  	[smem:$0x3FAD] =	sst s0;
	s0 =	simm.s32 @!p2 $0x0  }
0x16: {  	s3 =	sld [smem:$0x3FDB];
	s0 =	simm.s32 @p2 $0x1  }
0x17: {  	s4 =	simm.s32 $0x1BF5;
	[smem:$0x3FAF] =	sst s0  }
0x18: {  	s0 =	sld [smem:$0x3F92];
	_ =	swait.ge [sflag:s4], $0x0  }
0x19: {  	s7 =	sld [smem:$0x3F93]  }
0x1a: {  	s8 =	sadd.s32 $0xFFFFE003, lr  }
0x1b: {  	s9 =	sadd.s32 $0xFFFFFEF7, lr;
	s5 =	simm.s32 $0xFFFFFFFF;
	p2 =	slt.u32 s8, $0xFFFFF086  }
0x1c: {  	p1 =	slt.u32 s9, $0xF7A;
	s5 =	simm.s32 @!p2 $0x0  }
0x1d: {  	s5 =	simm.s32 @p1 $0x1;
	p0 =	seq.s32 s7, s2  }
0x1e: {  	s7 =	smul.u32 @!p0 $0xF7A, s2;
	p2 =	seq.s32 @!p0 s5, $0x0  }
0x1f: {  	s9 =	smul.u32 $0xF7A, s1;
	s8 =	simm.s32 @!p0 $0x1BF5;
	p2 =	por !p2, p0  }
0x20: {  	[sflag:s8] =	ssyncset.s32 @!p0 $0xFFFFF086;
	s6 =	sadd.s32 @!p0 s3, s7;
	s7 =	simm.s32 @!p0 $0x108  }
0x21: {  	s3 =	sadd.s32 s3, s9;
	s6 =	sadd.s32 @!p0 $0x88, s6;
	s7 =	simm.s32 @p2 $0x1082  }
0x22: {  	[simem:s7], [sflag:s8] =	dma.local @!p0 [hbm:s6], $0xF7A  }
0x23: {  	s9 =	sor.u32 $0xD0000000, s2;
	s6 =	simm.s32 $0x108;
	_ =	swait.ge @!p0 [sflag:s8], $0x0  }
0x24: {  	s3 =	sadd.s32 $0x88, s3;
	s6 =	simm.s32 @!p1 $0x1082;
	[sflag:s4] =	ssyncset.s32 $0xFFFFF086  }
0x25: {  	[simem:s6], [sflag:s4] =	dma.local [hbm:s3], $0xF7A  }
0x26: {  	[smem:$0x3F93] =	sst s1;
	(tag) =	ssettag s2;
	_ =	strace s9  }
0x27: {  	s1 =	sld [smem:$0x3FA3]  }
0x28: {  	s2 =	sld [smem:$0x3FA4]  }
0x29: {  	s4 =	sld [smem:$0x3FA6]  }
0x2a: {  	p0 =	seq.s32 s5, $0x0;
	s5 =	sld [smem:$0x3FA7]  }
0x2b: {  	s6 =	sld [smem:$0x3FA8]  }
0x2c: {  	s7 =	sld [smem:$0x3FA9]  }
0x2d: {  	s3 =	simm.s32 $0x108;
	s8 =	sld [smem:$0x3FAA]  }
0x2e: {  	s3 =	simm.s32 @!p0 $0x1082;
	s9 =	sld [smem:$0x3FAB]  }
0x2f: {  	lr =	sadd.s32 s0, s3;
	s0 =	sld [smem:$0x3FA2]  }
0x30: {  	s3 =	sld [smem:$0x3FA5]  }
0x31: {  	[smem:$0x3FAE] =	sst s10  }
0x32: {  	s10 =	sld [smem:$0x3FAC];
	_ =	sdelay $0x3  }
0x33: {  	p0 =	seq.s32 s10, $0x1;
	s10 =	sld [smem:$0x3FAE];
	_ =	sdelay $0x3  }
0x34: {  	[smem:$0x3FAE] =	sst s10  }
0x35: {  	s10 =	sld [smem:$0x3FAD];
	_ =	sdelay $0x3  }
0x36: {  	p1 =	seq.s32 s10, $0x1;
	s10 =	sld [smem:$0x3FAE];
	_ =	sdelay $0x3  }
0x37: {  	[smem:$0x3FAE] =	sst s10  }
0x38: {  	s10 =	sld [smem:$0x3FAF]  }
0x39: {  	_ = 	snop;
	(pc) =	sbr.ind lr, $3  }
0x3a: {  	_ = 	snop  }
0x3b: {  	_ = 	snop  }
0x3c: {  	p2 =	seq.s32 s10, $0x1;
	s10 =	sld [smem:$0x3FAE]  }
0x3d: {  	_ =	shalt  }
0x3e: {  	_ =	shalt  }
0x3f: {  	_ =	shalt  }
0x40: {  	_ =	shalt  }
0x41: {  	_ =	shalt  }
0x42: {  	_ =	shalt  }
0x43: {  	_ =	shalt  }
0x44: {  	_ =	shalt  }
0x45: {  	_ =	shalt  }
0x46: {  	_ =	shalt  }
0x47: {  	_ =	shalt  }
0x48: {  	_ =	shalt  }
0x49: {  	_ =	shalt  }
0x4a: {  	_ =	shalt  }
0x4b: {  	_ =	shalt  }
0x4c: {  	_ =	shalt  }
0x4d: {  	_ =	shalt  }
0x4e: {  	_ =	shalt  }
0x4f: {  	_ =	shalt  }
0x50: {  	_ =	shalt  }
0x51: {  	_ =	shalt  }
0x52: {  	_ =	shalt  }
0x53: {  	_ =	shalt  }
0x54: {  	_ =	shalt  }
0x55: {  	_ =	shalt  }
0x56: {  	_ =	shalt  }
0x57: {  	_ =	shalt  }
0x58: {  	_ =	shalt  }
0x59: {  	_ =	shalt  }
0x5a: {  	_ =	shalt  }
0x5b: {  	_ =	shalt  }
0x5c: {  	_ =	shalt  }
0x5d: {  	_ =	shalt  }
0x5e: {  	_ =	shalt  }
0x5f: {  	_ =	shalt  }
0x60: {  	_ =	shalt  }
0x61: {  	_ =	shalt  }
0x62: {  	_ =	shalt  }
0x63: {  	_ =	shalt  }
0x64: {  	_ =	shalt  }
0x65: {  	_ =	shalt  }
0x66: {  	_ =	shalt  }
0x67: {  	_ =	shalt  }
0x68: {  	_ =	shalt  }
0x69: {  	_ =	shalt  }
0x6a: {  	_ =	shalt  }
0x6b: {  	_ =	shalt  }
0x6c: {  	_ =	shalt  }
0x6d: {  	_ =	shalt  }
0x6e: {  	_ =	shalt  }
0x6f: {  	_ =	shalt  }
0x70: {  	_ =	shalt  }
0x71: {  	_ =	shalt  }
0x72: {  	_ =	shalt  }
0x73: {  	_ =	shalt  }
0x74: {  	_ =	shalt  }
0x75: {  	_ =	shalt  }
0x76: {  	_ =	shalt  }
0x77: {  	_ =	shalt  }
0x78: {  	_ =	shalt  }
0x79: {  	_ =	shalt  }
0x7a: {  	_ =	shalt  }
0x7b: {  	_ =	shalt  }
0x7c: {  	_ =	shalt  }
0x7d: {  	_ =	shalt  }
0x7e: {  	_ =	shalt  }
0x7f: {  	_ =	shalt  }
0x80: {  	_ =	shalt  }
0x81: {  	_ =	shalt  }
0x82: {  	_ =	shalt  }
0x83: {  	_ =	shalt  }
0x84: {  	_ =	shalt  }
0x85: {  	_ =	shalt  }
0x86: {  	_ =	shalt  }
0x87: {  	_ =	shalt  }
.Lfunc_end0:
.L_simem_size_0:
called_computation.5_lowered:
.L_overlay_start_0:
0x88: {  	s2 =	sld [smem:$0x3FD9]  }
0x89: {  	s3 =	sld [smem:$0x3FFE];
	_ =	sdelay $0x1  }
0x8a: {  	s1 =	srdreg.scid  }
0x8b: {  	s0 =	sand.u32 $0x1, s1  }
0x8c: {  	s15 =	sshll.u32 s0, $0xA;
	s2 =	sadd.s32 s3, s2  }
0x8d: {  	s2 =	sadd.s32 s2, s15  }
0x8e: {  	[smem:$0x3FBA] =	sst s2  }
0x8f: {  	_ = 	snop  }
0x90: {  	s2 =	sld [smem:$0x3FD0];
	_ =	sdelay $0x2  }
0x91: {  	s16 =	simm.s32 $0xB;
	s4 =	simm.s32 $0x10  }
0x92: {  	[smem:s4], [sflag:s16] =	dma.local [hbm:s2], $0x1  }
0x93: {  	_ =	swait.eq [sflag:s16], $0x1  }
0x94: {  	[sflag:s16] =	ssyncset.done $0x0  }
0x95: {  	[sflag:s16] =	ssyncadd.s32 $0xFFFFFFFF  }
0x96: {  	s17 =	sld [smem:$0x13];
	(tm) =	ssettm $0x1  }
0x97: {  	s18 =	sld [smem:$0x3FFB];
	_ =	sdelay $0x3  }
0x98: {  	_ =	strace s18  }
0x99: {  	s2 =	sld [smem:$0x3FFC];
	_ =	sdelay $0x3  }
0x9a: {  	_ =	strace s2  }
0x9b: {  	s2 =	sld [smem:$0x3FFD];
	_ =	sdelay $0x3  }
0x9c: {  	_ =	strace s2  }
0x9d: {  	_ =	strace $0x8FFFFFFF  }
0x9e: {  	s19 =	sld [smem:$0x3FDB];
	_ =	sdelay $0x1  }
0x9f: {  	s20 =	simm.s32 $_scs_section_size  }
0xa0: {  	s5 =	simm.s32 $_size__tile_overlayer_lowered;
	s6 =	simm.s32 $_tile_overlayer_lowered  }
0xa1: {  	s7 =	simm.s32 $0x1BFF;
	s21 =	sshll.u32 s6, $0x1;
	s4 =	sadd.s32 s20, s19  }
0xa2: {  	s22 =	simm.s32 $0x0;
	s5 =	sshll.u32 s5, $0x1;
	s6 =	sadd.s32 s21, s4  }
0xa3: {  	[timem:s22], [sflag:s7] =	dma.local [hbm:s6], s5  }
0xa4: {  	_ =	swait.ge [sflag:s7], s5  }
0xa5: {  	s5 =	ssub.s32 $0x0, s5;
	[sflag:s7] =	ssyncset.done $0x0  }
0xa6: {  	[sflag:s7] =	ssyncadd.s32 s5;
	_ =	sdelay $0x1  }
0xa7: {  	s23 =	simm.s32 $0x1B8B  }
0xa8: {  	_ =	swait.ge [sflag:s23], $0x1  }
0xa9: {  	[sflag:s23] =	ssyncset.done $0x0  }
0xaa: {  	[sflag:s23] =	ssyncadd.s32 $0xFFFFFFFF  }
0xab: {  	s5 =	sld [smem:$0x0]  }
0xac: {  	s6 =	sand.u32 $0xFFFFFFFE, s1  }
0xad: {  	p0 =	sne.s32 s1, s6  }
0xae: {  	s6 =	sshll.u32 @p0 s6, $0xE  }
0xaf: {  	s6 =	sadd.s32 @p0 $0x11B8D, s6;
	s7 =	sshll.u32 @p0 s5, $0x11  }
0xb0: {  	s6 =	sor.u32 @p0 s7, s6  }
0xb1: {  	[sflag:s6] =	ssyncadd.remote.s32 @p0 $0x1;
	_ =	sdelay $0x1  }
0xb2: {  	s6 =	simm.s32 @p0 $0x1B8D  }
0xb3: {  	_ =	swait.eq @p0 [sflag:s6], $0x1  }
0xb4: {  	[sflag:s6] =	ssyncadd.s32 @p0 $0xFFFFFFFF  }
0xb5: {  	s7 =	sshll.u32 @!p0 s1, $0xE  }
0xb6: {  	s7 =	sor.u32 @!p0 $0x4000, s7;
	s6 =	simm.s32 @!p0 $0x1B8D  }
0xb7: {  	s5 =	sshll.u32 @!p0 s5, $0x11;
	s7 =	sadd.s32 @!p0 $0x11B8D, s7;
	_ =	swait.eq @!p0 [sflag:s6], $0x1  }
0xb8: {  	s5 =	sor.u32 @!p0 s5, s7;
	[sflag:s6] =	ssyncadd.s32 @!p0 $0xFFFFFFFF  }
0xb9: {  	s25 =	simm.s32 $0x1B8E;
	s24 =	sld [smem:$0x3FFE];
	[sflag:s5] =	ssyncadd.remote.s32 @!p0 $0x1  }
0xba: {  	s26 =	simm.s32 $execute0_lowered;
	[smem:$0x3FD2] =	sst s25  }
0xbb: {  	s6 =	sshll.u32 s26, $0x1;
	_ =	strace $0x80000055;
	[dreg:$0x1] =	wrdreg $0xFFFFFFFF  }
0xbc: {  	s28 =	simm.s32 $_size_execute0_lowered;
	s4 =	sadd.s32 s4, s6;
	[dreg:$0x0] =	wrdreg $0x0  }
0xbd: {  	s6 =	sshll.u32 s28, $0x1;
	[dreg:$0x2] =	wrdreg s4  }
0xbe: {  	[dreg:$0x3] =	wrdreg s6  }
0xbf: {  	[dreg:$0x4] =	wrdreg $0xC0  }
0xc0: {  	_ =	task [dreg:s22], $0x5FFFF  }
0xc1: {  	[dreg:$0x1] =	wrdreg $0xFFFFFFFF  }
0xc2: {  	[dreg:$0x0] =	wrdreg $0x60  }
0xc3: {  	[dreg:$0x2] =	wrdreg s24  }
0xc4: {  	[dreg:$0x3] =	wrdreg s17  }
0xc5: {  	[dreg:$0x4] =	wrdreg $0x9  }
0xc6: {  	_ =	task.clear_ibuf [dreg:s22], $0x5FFFF;
	_ =	strace $0x90000055  }
0xc7: {  	s29 =	simm.s32 $0x9;
	_ =	strace $0x80000057  }
0xc8: {  	_ =	swait.ge [sflag:s29], $0x1  }
0xc9: {  	[sflag:s29] =	ssyncadd.s32 $0xFFFFFFFF  }
0xca: {  	_ =	strace $0x90000057  }
0xcb: {  	_ =	sfence  }
0xcc: {  	s30 =	sld [smem:$0x0];
	_ =	sdelay $0x2  }
0xcd: {  	s31 =	sshll.u32 s1, $0xD;
	s1 =	sshrl.u32 s1, $0x2  }
0xce: {  	s4 =	sand.u32 $0x4000, s31;
	s1 =	sadd.s32 s1, s30  }
0xcf: {  	s0 =	sor.u32 s4, s0;
	s1 =	sshll.u32 s1, $0x11  }
0xd0: {  	s0 =	sor.u32 s1, s0  }
0xd1: {  	s0 =	sadd.s32 $0x8F2B, s0  }
0xd2: {  	[sflag:s0] =	ssyncadd.remote.s32 $0x1  }
0xd3: {  	_ =	sfence.sel $0xFFFF  }
0xd4: {  	[dreg:$0x0] =	wrdreg $0xFFFFFFFF;
	(pc) =	sbr.abs _section_cstart, $3  }
0xd5: {  	[dreg:$0x1] =	wrdreg $0xFFFFFFFF  }
0xd6: {  	_ =	task.clear_ibuf [dreg:s22], $0x2FFFF;
	_ =	strace $0x9FFFFFFF  }
0xd7: {  	(tm) =	ssettm $0x7FFFFFFF  }
tec
execute0_lowered:
.L_overlay_start_1:
0x0: {  	(tag) =	ssettag $0x1  }
0x1: {  	s1 =	srdreg.scid;
	s9 =	rddreg [dreg:$0x0]  }
0x2: {  	s0 =	stileid.u32;
	s3 =	rddreg [dreg:$0x1]  }
0x3: {  	s2 =	simm.s32 $0x0;
	s7 =	simm.s32 $0x80;
	s6 =	sand.u32 $0x1, s1  }
0x4: {  	s4 =	sshll.u32 s0, $0x7;
	s1 =	rddreg [dreg:$0x2];
	s5 =	sshll.u32 s6, $0x6  }
0x5: {  	s8 =	simm.s32 $0x1;
	[smem:$0x7FF] =	sst s2;
	s10 =	sor.u32 s5, s4  }
0x6: {  	_ =	strace $0x80000056;
	s11 =	ssub.s32 $0x2, s6;
	s4 =	sshrl.u32 s10, $0x3  }
0x7: {  	s6 =	simm.s32 $0x40;
	s4 =	sadd.s32 s3, s4;
	s3 =	simm.s32 $0x2  }
0x8: {  	[tilespmem:s2], [sflag:$0x2] =	stream.linear.gather [hbm4b:s4+s2], $0x40, $0x38;
	[tilespmem:$0x2080] =	vst v63  }
0x9: {  	s5 =	sadd.s32 $0xC2E00, s9;
	s12 =	sshrl.u32 s11, $0x1;
	_ =	swait.ge [sflag:s3], $0x40  }
0xa: {  	s10 =	sshll.u32 s10, $0x4;
	s31 =	ssub.s32 s11, s12;
	[sflag:s3] =	ssyncset.done $0x0  }
0xb: {  	s9 =	sadd.s32 s10, s9;
	s10 =	smax.u32 s31, $0x1;
	[sflag:s3] =	ssyncadd.s32 $0xFFFFFFC0  }
0xc: {  	[tilespmem:s7], [sflag:$0x1] =	stream.indirect.gather [hbm4b:s5+s6], $0x80, s2, s6, $0xb8;
	[tilespmem:$0x2080] =	vst v63  }
0xd: {  	p0 =	sne.s32 s10, $0x1;
	_ =	swait.ge [sflag:s8], $0x2000  }
.Ltmp0:
0xe: {  	[sflag:s8] =	ssyncset.done $0x0;
	(pc) =	sbr.rel @!p0 .LBB2_2-.Ltmp0, $4  }
0xf: {  	s9 =	sadd.s32 $0xB000, s9;
	[sflag:s8] =	ssyncadd.s32 $0xFFFFE000  }
0x10: {  	[hbm4b:s9+s2] =	stream.linear.scatter [tilespmem:s7], [sflag:$0x2], $0x2000, $0x38;
	[tilespmem:$0x2080] =	vst v63  }
0x11: {  	_ =	swait.ge [sflag:s3], $0x2000  }
0x12: {  	s10 =	sadd.s32 $0xFFFFFFFF, s10;
	[sflag:s3] =	ssyncset.done $0x0  }
.LBB2_1:
0x13: {  	p0 =	sne.s32 s10, $0x1;
	s10 =	sadd.s32 $0xFFFFFFFF, s10;
	[sflag:s3] =	ssyncadd.s32 $0xFFFFE000  }
0x14: {  	[tilespmem:s2], [sflag:$0x2] =	stream.linear.gather [hbm4b:s4+s2], $0x40, $0x38;
	[tilespmem:$0x2080] =	vst v63  }
0x15: {  	_ =	swait.ge [sflag:s3], $0x40  }
0x16: {  	[sflag:s3] =	ssyncset.done $0x0  }
0x17: {  	[sflag:s3] =	ssyncadd.s32 $0xFFFFFFC0  }
0x18: {  	[tilespmem:s7], [sflag:$0x1] =	stream.indirect.gather [hbm4b:s5+s6], $0x80, s2, s6, $0xb8;
	[tilespmem:$0x2080] =	vst v63  }
0x19: {  	_ =	swait.ge [sflag:s8], $0x2000  }
.Ltmp1:
0x1a: {  	[sflag:s8] =	ssyncset.done $0x0;
	(pc) =	sbr.rel @p0 .LBB2_1-.Ltmp1, $4  }
0x1b: {  	[sflag:s8] =	ssyncadd.s32 $0xFFFFE000  }
0x1c: {  	[hbm4b:s9+s2] =	stream.linear.scatter [tilespmem:s7], [sflag:$0x2], $0x2000, $0x38;
	[tilespmem:$0x2080] =	vst v63  }
0x1d: {  	_ =	swait.ge [sflag:s3], $0x2000  }
0x1e: {  	[sflag:s3] =	ssyncset.done $0x0  }
.LBB2_2:
0x1f: {  	[sflag:s3] =	ssyncadd.s32 $0xFFFFE000  }
0x20: {  	_ =	sfence.sel $0x180000  }
0x21: {  	[bflag:$0x0] =	sbarrier.arrive $0xFFFF  }
0x22: {  	p0 =	sne.s32 s0, $0x0;
	_ =	strace $0x90000056  }
0x23: {  	s0 =	sadd.s32 @!p0 $0x100000, s1;
	[bflag:$0x2] =	sbarrier.arrive $0xFFFF  }
0x24: {  	[sflag:s0] =	ssyncadd.tile.s32 @!p0 $0x1;
	_ =	shalt  }
.Lfunc_end2:
_tile_overlayer_lowered:
.L_overlay_start_2:
0x25: {  	(tag) =	ssettag $0x2  }
0x26: {  	s0 =	rddreg [dreg:$0x0];
	s2 =	stileid.u32  }
0x27: {  	s1 =	rddreg [dreg:$0x1];
	p0 =	sne.s32 s2, $0x0  }
0x28: {  	s3 =	rddreg [dreg:$0x2];
	[bflag:$0x3] =	sbarrier.arrive $0xFFFF;
	s2 =	simm.s32 @!p0 $0x1C02  }
0x29: {  	[timem:s3], [sflag:s2] =	dma.local @!p0 [hbm:s0], s1  }
0x2a: {  	s0 =	simm.s32 @!p0 $0x2  }
0x2b: {  	_ =	swait.ge @!p0 [sflag:s0], s1  }
0x2c: {  	s1 =	ssub.s32 @!p0 $0x0, s1;
	[sflag:s0] =	ssyncset.done @!p0 $0x0  }
0x2d: {  	[sflag:s0] =	ssyncadd.s32 @!p0 s1  }
0x2e: {  	[bflag:$0x3] =	sbarrier.arrive $0xFFFF  }
0x2f: {  	_ =	shalt  }

// kernel: kernel.38.cloned.1.call-start
scs
__scs_entry_jumppad:
0x0: {  	(pc) =	sbr.rel $0x88, $3  }
0x1: {  	(tag) =	ssettag $0x0;
	lr =	simm.s32 $0x1  }
0x2: {  	[smem:$0x3F93] =	sst lr;
	_ =	strace $0xD0000000  }
0x3: {  	_ = 	snop  }
0x4: {  	_ = 	snop  }
0x5: {  	_ = 	snop  }
0x6: {  	_ = 	snop  }
0x7: {  	_ = 	snop  }
__scs_overlays_trampoline_lowered:
0x8: {  	[smem:$0x3FA2] =	sst s0  }
0x9: {  	[smem:$0x3FA3] =	sst s1  }
0xa: {  	[smem:$0x3FA4] =	sst s2  }
0xb: {  	[smem:$0x3FA5] =	sst s3  }
0xc: {  	[smem:$0x3FA6] =	sst s4  }
0xd: {  	[smem:$0x3FA7] =	sst s5  }
0xe: {  	[smem:$0x3FA8] =	sst s6  }
0xf: {  	[smem:$0x3FA9] =	sst s7  }
0x10: {  	[smem:$0x3FAA] =	sst s8  }
0x11: {  	[smem:$0x3FAB] =	sst s9;
	s0 =	simm.s32 @!p0 $0x0  }
0x12: {  	s1 =	sld [smem:$0x3F91];
	s0 =	simm.s32 @p0 $0x1  }
0x13: {  	[smem:$0x3FAC] =	sst s0;
	s0 =	simm.s32 @!p1 $0x0  }
0x14: {  	s2 =	sld [smem:$0x3F90];
	s0 =	simm.s32 @p1 $0x1  }
0x15: {  	[smem:$0x3FAD] =	sst s0;
	s0 =	simm.s32 @!p2 $0x0  }
0x16: {  	s3 =	sld [smem:$0x3FDB];
	s0 =	simm.s32 @p2 $0x1  }
0x17: {  	s4 =	simm.s32 $0x1BF5;
	[smem:$0x3FAF] =	sst s0  }
0x18: {  	s0 =	sld [smem:$0x3F92];
	_ =	swait.ge [sflag:s4], $0x0  }
0x19: {  	s7 =	sld [smem:$0x3F93]  }
0x1a: {  	s8 =	sadd.s32 $0xFFFFE003, lr  }
0x1b: {  	s9 =	sadd.s32 $0xFFFFFEF7, lr;
	s5 =	simm.s32 $0xFFFFFFFF;
	p2 =	slt.u32 s8, $0xFFFFF086  }
0x1c: {  	p1 =	slt.u32 s9, $0xF7A;
	s5 =	simm.s32 @!p2 $0x0  }
0x1d: {  	s5 =	simm.s32 @p1 $0x1;
	p0 =	seq.s32 s7, s2  }
0x1e: {  	s7 =	smul.u32 @!p0 $0xF7A, s2;
	p2 =	seq.s32 @!p0 s5, $0x0  }
0x1f: {  	s9 =	smul.u32 $0xF7A, s1;
	s8 =	simm.s32 @!p0 $0x1BF5;
	p2 =	por !p2, p0  }
0x20: {  	[sflag:s8] =	ssyncset.s32 @!p0 $0xFFFFF086;
	s6 =	sadd.s32 @!p0 s3, s7;
	s7 =	simm.s32 @!p0 $0x108  }
0x21: {  	s3 =	sadd.s32 s3, s9;
	s6 =	sadd.s32 @!p0 $0x88, s6;
	s7 =	simm.s32 @p2 $0x1082  }
0x22: {  	[simem:s7], [sflag:s8] =	dma.local @!p0 [hbm:s6], $0xF7A  }
0x23: {  	s9 =	sor.u32 $0xD0000000, s2;
	s6 =	simm.s32 $0x108;
	_ =	swait.ge @!p0 [sflag:s8], $0x0  }
0x24: {  	s3 =	sadd.s32 $0x88, s3;
	s6 =	simm.s32 @!p1 $0x1082;
	[sflag:s4] =	ssyncset.s32 $0xFFFFF086  }
0x25: {  	[simem:s6], [sflag:s4] =	dma.local [hbm:s3], $0xF7A  }
0x26: {  	[smem:$0x3F93] =	sst s1;
	(tag) =	ssettag s2;
	_ =	strace s9  }
0x27: {  	s1 =	sld [smem:$0x3FA3]  }
0x28: {  	s2 =	sld [smem:$0x3FA4]  }
0x29: {  	s4 =	sld [smem:$0x3FA6]  }
0x2a: {  	p0 =	seq.s32 s5, $0x0;
	s5 =	sld [smem:$0x3FA7]  }
0x2b: {  	s6 =	sld [smem:$0x3FA8]  }
0x2c: {  	s7 =	sld [smem:$0x3FA9]  }
0x2d: {  	s3 =	simm.s32 $0x108;
	s8 =	sld [smem:$0x3FAA]  }
0x2e: {  	s3 =	simm.s32 @!p0 $0x1082;
	s9 =	sld [smem:$0x3FAB]  }
0x2f: {  	lr =	sadd.s32 s0, s3;
	s0 =	sld [smem:$0x3FA2]  }
0x30: {  	s3 =	sld [smem:$0x3FA5]  }
0x31: {  	[smem:$0x3FAE] =	sst s10  }
0x32: {  	s10 =	sld [smem:$0x3FAC];
	_ =	sdelay $0x3  }
0x33: {  	p0 =	seq.s32 s10, $0x1;
	s10 =	sld [smem:$0x3FAE];
	_ =	sdelay $0x3  }
0x34: {  	[smem:$0x3FAE] =	sst s10  }
0x35: {  	s10 =	sld [smem:$0x3FAD];
	_ =	sdelay $0x3  }
0x36: {  	p1 =	seq.s32 s10, $0x1;
	s10 =	sld [smem:$0x3FAE];
	_ =	sdelay $0x3  }
0x37: {  	[smem:$0x3FAE] =	sst s10  }
0x38: {  	s10 =	sld [smem:$0x3FAF]  }
0x39: {  	_ = 	snop;
	(pc) =	sbr.ind lr, $3  }
0x3a: {  	_ = 	snop  }
0x3b: {  	_ = 	snop  }
0x3c: {  	p2 =	seq.s32 s10, $0x1;
	s10 =	sld [smem:$0x3FAE]  }
0x3d: {  	_ =	shalt  }
0x3e: {  	_ =	shalt  }
0x3f: {  	_ =	shalt  }
0x40: {  	_ =	shalt  }
0x41: {  	_ =	shalt  }
0x42: {  	_ =	shalt  }
0x43: {  	_ =	shalt  }
0x44: {  	_ =	shalt  }
0x45: {  	_ =	shalt  }
0x46: {  	_ =	shalt  }
0x47: {  	_ =	shalt  }
0x48: {  	_ =	shalt  }
0x49: {  	_ =	shalt  }
0x4a: {  	_ =	shalt  }
0x4b: {  	_ =	shalt  }
0x4c: {  	_ =	shalt  }
0x4d: {  	_ =	shalt  }
0x4e: {  	_ =	shalt  }
0x4f: {  	_ =	shalt  }
0x50: {  	_ =	shalt  }
0x51: {  	_ =	shalt  }
0x52: {  	_ =	shalt  }
0x53: {  	_ =	shalt  }
0x54: {  	_ =	shalt  }
0x55: {  	_ =	shalt  }
0x56: {  	_ =	shalt  }
0x57: {  	_ =	shalt  }
0x58: {  	_ =	shalt  }
0x59: {  	_ =	shalt  }
0x5a: {  	_ =	shalt  }
0x5b: {  	_ =	shalt  }
0x5c: {  	_ =	shalt  }
0x5d: {  	_ =	shalt  }
0x5e: {  	_ =	shalt  }
0x5f: {  	_ =	shalt  }
0x60: {  	_ =	shalt  }
0x61: {  	_ =	shalt  }
0x62: {  	_ =	shalt  }
0x63: {  	_ =	shalt  }
0x64: {  	_ =	shalt  }
0x65: {  	_ =	shalt  }
0x66: {  	_ =	shalt  }
0x67: {  	_ =	shalt  }
0x68: {  	_ =	shalt  }
0x69: {  	_ =	shalt  }
0x6a: {  	_ =	shalt  }
0x6b: {  	_ =	shalt  }
0x6c: {  	_ =	shalt  }
0x6d: {  	_ =	shalt  }
0x6e: {  	_ =	shalt  }
0x6f: {  	_ =	shalt  }
0x70: {  	_ =	shalt  }
0x71: {  	_ =	shalt  }
0x72: {  	_ =	shalt  }
0x73: {  	_ =	shalt  }
0x74: {  	_ =	shalt  }
0x75: {  	_ =	shalt  }
0x76: {  	_ =	shalt  }
0x77: {  	_ =	shalt  }
0x78: {  	_ =	shalt  }
0x79: {  	_ =	shalt  }
0x7a: {  	_ =	shalt  }
0x7b: {  	_ =	shalt  }
0x7c: {  	_ =	shalt  }
0x7d: {  	_ =	shalt  }
0x7e: {  	_ =	shalt  }
0x7f: {  	_ =	shalt  }
0x80: {  	_ =	shalt  }
0x81: {  	_ =	shalt  }
0x82: {  	_ =	shalt  }
0x83: {  	_ =	shalt  }
0x84: {  	_ =	shalt  }
0x85: {  	_ =	shalt  }
0x86: {  	_ =	shalt  }
0x87: {  	_ =	shalt  }
.Lfunc_end0:
.L_simem_size_0:
called_computation.6_lowered:
.L_overlay_start_0:
0x88: {  	s2 =	sld [smem:$0x3FD9]  }
0x89: {  	s3 =	sld [smem:$0x3FFE];
	_ =	sdelay $0x1  }
0x8a: {  	s1 =	srdreg.scid  }
0x8b: {  	s0 =	sand.u32 $0x1, s1  }
0x8c: {  	s15 =	sshll.u32 s0, $0xA;
	s2 =	sadd.s32 s3, s2  }
0x8d: {  	s2 =	sadd.s32 s2, s15  }
0x8e: {  	[smem:$0x3FBA] =	sst s2  }
0x8f: {  	_ = 	snop  }
0x90: {  	s2 =	sld [smem:$0x3FD0];
	_ =	sdelay $0x2  }
0x91: {  	s16 =	simm.s32 $0xB;
	s4 =	simm.s32 $0x10  }
0x92: {  	[smem:s4], [sflag:s16] =	dma.local [hbm:s2], $0x1  }
0x93: {  	_ =	swait.eq [sflag:s16], $0x1  }
0x94: {  	[sflag:s16] =	ssyncset.done $0x0  }
0x95: {  	[sflag:s16] =	ssyncadd.s32 $0xFFFFFFFF  }
0x96: {  	s17 =	sld [smem:$0x10];
	(tm) =	ssettm $0x1  }
0x97: {  	s18 =	sld [smem:$0x3FFB];
	_ =	sdelay $0x3  }
0x98: {  	_ =	strace s18  }
0x99: {  	s2 =	sld [smem:$0x3FFC];
	_ =	sdelay $0x3  }
0x9a: {  	_ =	strace s2  }
0x9b: {  	s2 =	sld [smem:$0x3FFD];
	_ =	sdelay $0x3  }
0x9c: {  	_ =	strace s2  }
0x9d: {  	_ =	strace $0x8FFFFFFF  }
0x9e: {  	s19 =	sld [smem:$0x3FDB];
	_ =	sdelay $0x1  }
0x9f: {  	s20 =	simm.s32 $_scs_section_size  }
0xa0: {  	s5 =	simm.s32 $_size__tile_overlayer_lowered;
	s6 =	simm.s32 $_tile_overlayer_lowered  }
0xa1: {  	s7 =	simm.s32 $0x1BFF;
	s21 =	sshll.u32 s6, $0x1;
	s4 =	sadd.s32 s20, s19  }
0xa2: {  	s22 =	simm.s32 $0x0;
	s5 =	sshll.u32 s5, $0x1;
	s6 =	sadd.s32 s21, s4  }
0xa3: {  	[timem:s22], [sflag:s7] =	dma.local [hbm:s6], s5  }
0xa4: {  	_ =	swait.ge [sflag:s7], s5  }
0xa5: {  	s5 =	ssub.s32 $0x0, s5;
	[sflag:s7] =	ssyncset.done $0x0  }
0xa6: {  	[sflag:s7] =	ssyncadd.s32 s5;
	_ =	sdelay $0x1  }
0xa7: {  	s23 =	simm.s32 $0x1B8B  }
0xa8: {  	_ =	swait.ge [sflag:s23], $0x1  }
0xa9: {  	[sflag:s23] =	ssyncset.done $0x0  }
0xaa: {  	[sflag:s23] =	ssyncadd.s32 $0xFFFFFFFF  }
0xab: {  	s5 =	sld [smem:$0x0]  }
0xac: {  	s6 =	sand.u32 $0xFFFFFFFE, s1  }
0xad: {  	p0 =	sne.s32 s1, s6  }
0xae: {  	s6 =	sshll.u32 @p0 s6, $0xE  }
0xaf: {  	s6 =	sadd.s32 @p0 $0x11B8D, s6;
	s7 =	sshll.u32 @p0 s5, $0x11  }
0xb0: {  	s6 =	sor.u32 @p0 s7, s6  }
0xb1: {  	[sflag:s6] =	ssyncadd.remote.s32 @p0 $0x1;
	_ =	sdelay $0x1  }
0xb2: {  	s6 =	simm.s32 @p0 $0x1B8D  }
0xb3: {  	_ =	swait.eq @p0 [sflag:s6], $0x1  }
0xb4: {  	[sflag:s6] =	ssyncadd.s32 @p0 $0xFFFFFFFF  }
0xb5: {  	s7 =	sshll.u32 @!p0 s1, $0xE  }
0xb6: {  	s7 =	sor.u32 @!p0 $0x4000, s7;
	s6 =	simm.s32 @!p0 $0x1B8D  }
0xb7: {  	s5 =	sshll.u32 @!p0 s5, $0x11;
	s7 =	sadd.s32 @!p0 $0x11B8D, s7;
	_ =	swait.eq @!p0 [sflag:s6], $0x1  }
0xb8: {  	s5 =	sor.u32 @!p0 s5, s7;
	[sflag:s6] =	ssyncadd.s32 @!p0 $0xFFFFFFFF  }
0xb9: {  	s25 =	simm.s32 $0x1B8E;
	s24 =	sld [smem:$0x3FFE];
	[sflag:s5] =	ssyncadd.remote.s32 @!p0 $0x1  }
0xba: {  	s26 =	simm.s32 $execute0_lowered;
	[smem:$0x3FD2] =	sst s25  }
0xbb: {  	s6 =	sshll.u32 s26, $0x1;
	_ =	strace $0x80000058;
	[dreg:$0x1] =	wrdreg $0xFFFFFFFF  }
0xbc: {  	s28 =	simm.s32 $_size_execute0_lowered;
	s4 =	sadd.s32 s4, s6;
	[dreg:$0x0] =	wrdreg $0x0  }
0xbd: {  	s6 =	sshll.u32 s28, $0x1;
	[dreg:$0x2] =	wrdreg s4  }
0xbe: {  	[dreg:$0x3] =	wrdreg s6  }
0xbf: {  	[dreg:$0x4] =	wrdreg $0xC0  }
0xc0: {  	_ =	task [dreg:s22], $0x5FFFF  }
0xc1: {  	[dreg:$0x1] =	wrdreg $0xFFFFFFFF  }
0xc2: {  	[dreg:$0x0] =	wrdreg $0x60  }
0xc3: {  	[dreg:$0x2] =	wrdreg s17  }
0xc4: {  	[dreg:$0x3] =	wrdreg s24  }
0xc5: {  	[dreg:$0x4] =	wrdreg $0xA  }
0xc6: {  	_ =	task.clear_ibuf [dreg:s22], $0x5FFFF;
	_ =	strace $0x90000058  }
0xc7: {  	s29 =	simm.s32 $0xA;
	_ =	strace $0x8000005A  }
0xc8: {  	_ =	swait.ge [sflag:s29], $0x1  }
0xc9: {  	[sflag:s29] =	ssyncadd.s32 $0xFFFFFFFF  }
0xca: {  	_ =	strace $0x9000005A  }
0xcb: {  	_ =	sfence  }
0xcc: {  	s30 =	sld [smem:$0x0];
	_ =	sdelay $0x2  }
0xcd: {  	s31 =	sshll.u32 s1, $0xD;
	s1 =	sshrl.u32 s1, $0x2  }
0xce: {  	s4 =	sand.u32 $0x4000, s31;
	s1 =	sadd.s32 s1, s30  }
0xcf: {  	s0 =	sor.u32 s4, s0;
	s1 =	sshll.u32 s1, $0x11  }
0xd0: {  	s0 =	sor.u32 s1, s0  }
0xd1: {  	s0 =	sadd.s32 $0x8F2B, s0  }
0xd2: {  	[sflag:s0] =	ssyncadd.remote.s32 $0x1  }
0xd3: {  	_ =	sfence.sel $0xFFFF  }
0xd4: {  	[dreg:$0x0] =	wrdreg $0xFFFFFFFF;
	(pc) =	sbr.abs _section_cstart, $3  }
0xd5: {  	[dreg:$0x1] =	wrdreg $0xFFFFFFFF  }
0xd6: {  	_ =	task.clear_ibuf [dreg:s22], $0x2FFFF;
	_ =	strace $0x9FFFFFFF  }
0xd7: {  	(tm) =	ssettm $0x7FFFFFFF  }
tec
execute0_lowered:
.L_overlay_start_1:
0x0: {  	(tag) =	ssettag $0x1  }
0x1: {  	s1 =	srdreg.scid  }
0x2: {  	s0 =	stileid.u32;
	s2 =	rddreg [dreg:$0x0];
	s6 =	sand.u32 $0x1, s1  }
0x3: {  	s9 =	rddreg [dreg:$0x1];
	s30 =	sshll.u32 s0, $0x7;
	s3 =	sshll.u32 s6, $0x6  }
0x4: {  	s7 =	simm.s32 $0x80;
	s8 =	simm.s32 $0x1;
	s10 =	sor.u32 s3, s30  }
0x5: {  	s1 =	rddreg [dreg:$0x2];
	s3 =	simm.s32 $0x0;
	s4 =	sshrl.u32 s10, $0x3  }
0x6: {  	s11 =	ssub.s32 $0x2, s6;
	[smem:$0x7FF] =	sst s3;
	s4 =	sadd.s32 s4, s9  }
0x7: {  	_ =	strace $0x80000059;
	s5 =	sadd.s32 $0x2E00, s4;
	s4 =	simm.s32 $0x2  }
0x8: {  	[tilespmem:s3], [sflag:$0x2] =	stream.linear.gather [hbm4b:s5+s3], $0x40, $0x38;
	[tilespmem:$0x2080] =	vst v63  }
0x9: {  	s6 =	simm.s32 $0x40;
	s12 =	sshrl.u32 s11, $0x1;
	_ =	swait.ge [sflag:s4], $0x40  }
0xa: {  	s10 =	sshll.u32 s10, $0x4;
	s31 =	ssub.s32 s11, s12;
	[sflag:s4] =	ssyncset.done $0x0  }
0xb: {  	s9 =	sadd.s32 s10, s9;
	s10 =	smax.u32 s31, $0x1;
	[sflag:s4] =	ssyncadd.s32 $0xFFFFFFC0  }
0xc: {  	[tilespmem:s7], [sflag:$0x1] =	stream.indirect.gather [hbm4b:s2+s6], $0x80, s3, s6, $0xb8;
	[tilespmem:$0x2080] =	vst v63  }
0xd: {  	p0 =	sne.s32 s10, $0x1;
	_ =	swait.ge [sflag:s8], $0x2000  }
.Ltmp0:
0xe: {  	[sflag:s8] =	ssyncset.done $0x0;
	(pc) =	sbr.rel @!p0 .LBB2_2-.Ltmp0, $4  }
0xf: {  	s9 =	sadd.s32 $0x3000, s9;
	[sflag:s8] =	ssyncadd.s32 $0xFFFFE000  }
0x10: {  	[hbm4b:s9+s3] =	stream.linear.scatter [tilespmem:s7], [sflag:$0x2], $0x2000, $0x38;
	[tilespmem:$0x2080] =	vst v63  }
0x11: {  	_ =	swait.ge [sflag:s4], $0x2000  }
0x12: {  	s10 =	sadd.s32 $0xFFFFFFFF, s10;
	[sflag:s4] =	ssyncset.done $0x0  }
.LBB2_1:
0x13: {  	p0 =	sne.s32 s10, $0x1;
	s10 =	sadd.s32 $0xFFFFFFFF, s10;
	[sflag:s4] =	ssyncadd.s32 $0xFFFFE000  }
0x14: {  	[tilespmem:s3], [sflag:$0x2] =	stream.linear.gather [hbm4b:s5+s3], $0x40, $0x38;
	[tilespmem:$0x2080] =	vst v63  }
0x15: {  	_ =	swait.ge [sflag:s4], $0x40  }
0x16: {  	[sflag:s4] =	ssyncset.done $0x0  }
0x17: {  	[sflag:s4] =	ssyncadd.s32 $0xFFFFFFC0  }
0x18: {  	[tilespmem:s7], [sflag:$0x1] =	stream.indirect.gather [hbm4b:s2+s6], $0x80, s3, s6, $0xb8;
	[tilespmem:$0x2080] =	vst v63  }
0x19: {  	_ =	swait.ge [sflag:s8], $0x2000  }
.Ltmp1:
0x1a: {  	[sflag:s8] =	ssyncset.done $0x0;
	(pc) =	sbr.rel @p0 .LBB2_1-.Ltmp1, $4  }
0x1b: {  	[sflag:s8] =	ssyncadd.s32 $0xFFFFE000  }
0x1c: {  	[hbm4b:s9+s3] =	stream.linear.scatter [tilespmem:s7], [sflag:$0x2], $0x2000, $0x38;
	[tilespmem:$0x2080] =	vst v63  }
0x1d: {  	_ =	swait.ge [sflag:s4], $0x2000  }
0x1e: {  	[sflag:s4] =	ssyncset.done $0x0  }
.LBB2_2:
0x1f: {  	[sflag:s4] =	ssyncadd.s32 $0xFFFFE000  }
0x20: {  	_ =	sfence.sel $0x180000  }
0x21: {  	[bflag:$0x0] =	sbarrier.arrive $0xFFFF  }
0x22: {  	p0 =	sne.s32 s0, $0x0;
	_ =	strace $0x90000059  }
0x23: {  	s0 =	sadd.s32 @!p0 $0x100000, s1;
	[bflag:$0x2] =	sbarrier.arrive $0xFFFF  }
0x24: {  	[sflag:s0] =	ssyncadd.tile.s32 @!p0 $0x1;
	_ =	shalt  }
.Lfunc_end2:
_tile_overlayer_lowered:
.L_overlay_start_2:
0x25: {  	(tag) =	ssettag $0x2  }
0x26: {  	s0 =	rddreg [dreg:$0x0];
	s2 =	stileid.u32  }
0x27: {  	s1 =	rddreg [dreg:$0x1];
	p0 =	sne.s32 s2, $0x0  }
0x28: {  	s3 =	rddreg [dreg:$0x2];
	[bflag:$0x3] =	sbarrier.arrive $0xFFFF;
	s2 =	simm.s32 @!p0 $0x1C02  }
0x29: {  	[timem:s3], [sflag:s2] =	dma.local @!p0 [hbm:s0], s1  }
0x2a: {  	s0 =	simm.s32 @!p0 $0x2  }
0x2b: {  	_ =	swait.ge @!p0 [sflag:s0], s1  }
0x2c: {  	s1 =	ssub.s32 @!p0 $0x0, s1;
	[sflag:s0] =	ssyncset.done @!p0 $0x0  }
0x2d: {  	[sflag:s0] =	ssyncadd.s32 @!p0 s1  }
0x2e: {  	[bflag:$0x3] =	sbarrier.arrive $0xFFFF  }
0x2f: {  	_ =	shalt  }

// kernel: kernel.41.cloned.1.call-start
scs
__scs_entry_jumppad:
0x0: {  	(pc) =	sbr.rel $0x88, $3  }
0x1: {  	(tag) =	ssettag $0x0;
	lr =	simm.s32 $0x1  }
0x2: {  	[smem:$0x3F93] =	sst lr;
	_ =	strace $0xD0000000  }
0x3: {  	_ = 	snop  }
0x4: {  	_ = 	snop  }
0x5: {  	_ = 	snop  }
0x6: {  	_ = 	snop  }
0x7: {  	_ = 	snop  }
__scs_overlays_trampoline_lowered:
0x8: {  	[smem:$0x3FA2] =	sst s0  }
0x9: {  	[smem:$0x3FA3] =	sst s1  }
0xa: {  	[smem:$0x3FA4] =	sst s2  }
0xb: {  	[smem:$0x3FA5] =	sst s3  }
0xc: {  	[smem:$0x3FA6] =	sst s4  }
0xd: {  	[smem:$0x3FA7] =	sst s5  }
0xe: {  	[smem:$0x3FA8] =	sst s6  }
0xf: {  	[smem:$0x3FA9] =	sst s7  }
0x10: {  	[smem:$0x3FAA] =	sst s8  }
0x11: {  	[smem:$0x3FAB] =	sst s9;
	s0 =	simm.s32 @!p0 $0x0  }
0x12: {  	s1 =	sld [smem:$0x3F91];
	s0 =	simm.s32 @p0 $0x1  }
0x13: {  	[smem:$0x3FAC] =	sst s0;
	s0 =	simm.s32 @!p1 $0x0  }
0x14: {  	s2 =	sld [smem:$0x3F90];
	s0 =	simm.s32 @p1 $0x1  }
0x15: {  	[smem:$0x3FAD] =	sst s0;
	s0 =	simm.s32 @!p2 $0x0  }
0x16: {  	s3 =	sld [smem:$0x3FDB];
	s0 =	simm.s32 @p2 $0x1  }
0x17: {  	s4 =	simm.s32 $0x1BF5;
	[smem:$0x3FAF] =	sst s0  }
0x18: {  	s0 =	sld [smem:$0x3F92];
	_ =	swait.ge [sflag:s4], $0x0  }
0x19: {  	s7 =	sld [smem:$0x3F93]  }
0x1a: {  	s8 =	sadd.s32 $0xFFFFE003, lr  }
0x1b: {  	s9 =	sadd.s32 $0xFFFFFEF7, lr;
	s5 =	simm.s32 $0xFFFFFFFF;
	p2 =	slt.u32 s8, $0xFFFFF086  }
0x1c: {  	p1 =	slt.u32 s9, $0xF7A;
	s5 =	simm.s32 @!p2 $0x0  }
0x1d: {  	s5 =	simm.s32 @p1 $0x1;
	p0 =	seq.s32 s7, s2  }
0x1e: {  	s7 =	smul.u32 @!p0 $0xF7A, s2;
	p2 =	seq.s32 @!p0 s5, $0x0  }
0x1f: {  	s9 =	smul.u32 $0xF7A, s1;
	s8 =	simm.s32 @!p0 $0x1BF5;
	p2 =	por !p2, p0  }
0x20: {  	[sflag:s8] =	ssyncset.s32 @!p0 $0xFFFFF086;
	s6 =	sadd.s32 @!p0 s3, s7;
	s7 =	simm.s32 @!p0 $0x108  }
0x21: {  	s3 =	sadd.s32 s3, s9;
	s6 =	sadd.s32 @!p0 $0x88, s6;
	s7 =	simm.s32 @p2 $0x1082  }
0x22: {  	[simem:s7], [sflag:s8] =	dma.local @!p0 [hbm:s6], $0xF7A  }
0x23: {  	s9 =	sor.u32 $0xD0000000, s2;
	s6 =	simm.s32 $0x108;
	_ =	swait.ge @!p0 [sflag:s8], $0x0  }
0x24: {  	s3 =	sadd.s32 $0x88, s3;
	s6 =	simm.s32 @!p1 $0x1082;
	[sflag:s4] =	ssyncset.s32 $0xFFFFF086  }
0x25: {  	[simem:s6], [sflag:s4] =	dma.local [hbm:s3], $0xF7A  }
0x26: {  	[smem:$0x3F93] =	sst s1;
	(tag) =	ssettag s2;
	_ =	strace s9  }
0x27: {  	s1 =	sld [smem:$0x3FA3]  }
0x28: {  	s2 =	sld [smem:$0x3FA4]  }
0x29: {  	s4 =	sld [smem:$0x3FA6]  }
0x2a: {  	p0 =	seq.s32 s5, $0x0;
	s5 =	sld [smem:$0x3FA7]  }
0x2b: {  	s6 =	sld [smem:$0x3FA8]  }
0x2c: {  	s7 =	sld [smem:$0x3FA9]  }
0x2d: {  	s3 =	simm.s32 $0x108;
	s8 =	sld [smem:$0x3FAA]  }
0x2e: {  	s3 =	simm.s32 @!p0 $0x1082;
	s9 =	sld [smem:$0x3FAB]  }
0x2f: {  	lr =	sadd.s32 s0, s3;
	s0 =	sld [smem:$0x3FA2]  }
0x30: {  	s3 =	sld [smem:$0x3FA5]  }
0x31: {  	[smem:$0x3FAE] =	sst s10  }
0x32: {  	s10 =	sld [smem:$0x3FAC];
	_ =	sdelay $0x3  }
0x33: {  	p0 =	seq.s32 s10, $0x1;
	s10 =	sld [smem:$0x3FAE];
	_ =	sdelay $0x3  }
0x34: {  	[smem:$0x3FAE] =	sst s10  }
0x35: {  	s10 =	sld [smem:$0x3FAD];
	_ =	sdelay $0x3  }
0x36: {  	p1 =	seq.s32 s10, $0x1;
	s10 =	sld [smem:$0x3FAE];
	_ =	sdelay $0x3  }
0x37: {  	[smem:$0x3FAE] =	sst s10  }
0x38: {  	s10 =	sld [smem:$0x3FAF]  }
0x39: {  	_ = 	snop;
	(pc) =	sbr.ind lr, $3  }
0x3a: {  	_ = 	snop  }
0x3b: {  	_ = 	snop  }
0x3c: {  	p2 =	seq.s32 s10, $0x1;
	s10 =	sld [smem:$0x3FAE]  }
0x3d: {  	_ =	shalt  }
0x3e: {  	_ =	shalt  }
0x3f: {  	_ =	shalt  }
0x40: {  	_ =	shalt  }
0x41: {  	_ =	shalt  }
0x42: {  	_ =	shalt  }
0x43: {  	_ =	shalt  }
0x44: {  	_ =	shalt  }
0x45: {  	_ =	shalt  }
0x46: {  	_ =	shalt  }
0x47: {  	_ =	shalt  }
0x48: {  	_ =	shalt  }
0x49: {  	_ =	shalt  }
0x4a: {  	_ =	shalt  }
0x4b: {  	_ =	shalt  }
0x4c: {  	_ =	shalt  }
0x4d: {  	_ =	shalt  }
0x4e: {  	_ =	shalt  }
0x4f: {  	_ =	shalt  }
0x50: {  	_ =	shalt  }
0x51: {  	_ =	shalt  }
0x52: {  	_ =	shalt  }
0x53: {  	_ =	shalt  }
0x54: {  	_ =	shalt  }
0x55: {  	_ =	shalt  }
0x56: {  	_ =	shalt  }
0x57: {  	_ =	shalt  }
0x58: {  	_ =	shalt  }
0x59: {  	_ =	shalt  }
0x5a: {  	_ =	shalt  }
0x5b: {  	_ =	shalt  }
0x5c: {  	_ =	shalt  }
0x5d: {  	_ =	shalt  }
0x5e: {  	_ =	shalt  }
0x5f: {  	_ =	shalt  }
0x60: {  	_ =	shalt  }
0x61: {  	_ =	shalt  }
0x62: {  	_ =	shalt  }
0x63: {  	_ =	shalt  }
0x64: {  	_ =	shalt  }
0x65: {  	_ =	shalt  }
0x66: {  	_ =	shalt  }
0x67: {  	_ =	shalt  }
0x68: {  	_ =	shalt  }
0x69: {  	_ =	shalt  }
0x6a: {  	_ =	shalt  }
0x6b: {  	_ =	shalt  }
0x6c: {  	_ =	shalt  }
0x6d: {  	_ =	shalt  }
0x6e: {  	_ =	shalt  }
0x6f: {  	_ =	shalt  }
0x70: {  	_ =	shalt  }
0x71: {  	_ =	shalt  }
0x72: {  	_ =	shalt  }
0x73: {  	_ =	shalt  }
0x74: {  	_ =	shalt  }
0x75: {  	_ =	shalt  }
0x76: {  	_ =	shalt  }
0x77: {  	_ =	shalt  }
0x78: {  	_ =	shalt  }
0x79: {  	_ =	shalt  }
0x7a: {  	_ =	shalt  }
0x7b: {  	_ =	shalt  }
0x7c: {  	_ =	shalt  }
0x7d: {  	_ =	shalt  }
0x7e: {  	_ =	shalt  }
0x7f: {  	_ =	shalt  }
0x80: {  	_ =	shalt  }
0x81: {  	_ =	shalt  }
0x82: {  	_ =	shalt  }
0x83: {  	_ =	shalt  }
0x84: {  	_ =	shalt  }
0x85: {  	_ =	shalt  }
0x86: {  	_ =	shalt  }
0x87: {  	_ =	shalt  }
.Lfunc_end0:
.L_simem_size_0:
called_computation.7_lowered:
.L_overlay_start_0:
0x88: {  	s2 =	sld [smem:$0x3FD9]  }
0x89: {  	s3 =	sld [smem:$0x3FFE];
	_ =	sdelay $0x1  }
0x8a: {  	s1 =	srdreg.scid  }
0x8b: {  	s0 =	sand.u32 $0x1, s1  }
0x8c: {  	s15 =	sshll.u32 s0, $0xA;
	s2 =	sadd.s32 s3, s2  }
0x8d: {  	s2 =	sadd.s32 s2, s15  }
0x8e: {  	[smem:$0x3FBA] =	sst s2  }
0x8f: {  	_ = 	snop  }
0x90: {  	s2 =	sld [smem:$0x3FD0];
	_ =	sdelay $0x2  }
0x91: {  	s16 =	simm.s32 $0xB;
	s4 =	simm.s32 $0x10  }
0x92: {  	[smem:s4], [sflag:s16] =	dma.local [hbm:s2], $0x1  }
0x93: {  	_ =	swait.eq [sflag:s16], $0x1  }
0x94: {  	[sflag:s16] =	ssyncset.done $0x0  }
0x95: {  	[sflag:s16] =	ssyncadd.s32 $0xFFFFFFFF  }
0x96: {  	s17 =	sld [smem:$0x10];
	(tm) =	ssettm $0x1  }
0x97: {  	s18 =	sld [smem:$0x3FFB];
	_ =	sdelay $0x3  }
0x98: {  	_ =	strace s18  }
0x99: {  	s2 =	sld [smem:$0x3FFC];
	_ =	sdelay $0x3  }
0x9a: {  	_ =	strace s2  }
0x9b: {  	s2 =	sld [smem:$0x3FFD];
	_ =	sdelay $0x3  }
0x9c: {  	_ =	strace s2  }
0x9d: {  	_ =	strace $0x8FFFFFFF  }
0x9e: {  	s19 =	sld [smem:$0x3FDB];
	_ =	sdelay $0x1  }
0x9f: {  	s20 =	simm.s32 $_scs_section_size  }
0xa0: {  	s5 =	simm.s32 $_size__tile_overlayer_lowered;
	s6 =	simm.s32 $_tile_overlayer_lowered  }
0xa1: {  	s7 =	simm.s32 $0x1BFF;
	s21 =	sshll.u32 s6, $0x1;
	s4 =	sadd.s32 s20, s19  }
0xa2: {  	s22 =	simm.s32 $0x0;
	s5 =	sshll.u32 s5, $0x1;
	s6 =	sadd.s32 s21, s4  }
0xa3: {  	[timem:s22], [sflag:s7] =	dma.local [hbm:s6], s5  }
0xa4: {  	_ =	swait.ge [sflag:s7], s5  }
0xa5: {  	s5 =	ssub.s32 $0x0, s5;
	[sflag:s7] =	ssyncset.done $0x0  }
0xa6: {  	[sflag:s7] =	ssyncadd.s32 s5;
	_ =	sdelay $0x1  }
0xa7: {  	s23 =	simm.s32 $0x1B8B  }
0xa8: {  	_ =	swait.ge [sflag:s23], $0x1  }
0xa9: {  	[sflag:s23] =	ssyncset.done $0x0  }
0xaa: {  	[sflag:s23] =	ssyncadd.s32 $0xFFFFFFFF  }
0xab: {  	s5 =	sld [smem:$0x0]  }
0xac: {  	s6 =	sand.u32 $0xFFFFFFFE, s1  }
0xad: {  	p0 =	sne.s32 s1, s6  }
0xae: {  	s6 =	sshll.u32 @p0 s6, $0xE  }
0xaf: {  	s6 =	sadd.s32 @p0 $0x11B8D, s6;
	s7 =	sshll.u32 @p0 s5, $0x11  }
0xb0: {  	s6 =	sor.u32 @p0 s7, s6  }
0xb1: {  	[sflag:s6] =	ssyncadd.remote.s32 @p0 $0x1;
	_ =	sdelay $0x1  }
0xb2: {  	s6 =	simm.s32 @p0 $0x1B8D  }
0xb3: {  	_ =	swait.eq @p0 [sflag:s6], $0x1  }
0xb4: {  	[sflag:s6] =	ssyncadd.s32 @p0 $0xFFFFFFFF  }
0xb5: {  	s7 =	sshll.u32 @!p0 s1, $0xE  }
0xb6: {  	s7 =	sor.u32 @!p0 $0x4000, s7;
	s6 =	simm.s32 @!p0 $0x1B8D  }
0xb7: {  	s5 =	sshll.u32 @!p0 s5, $0x11;
	s7 =	sadd.s32 @!p0 $0x11B8D, s7;
	_ =	swait.eq @!p0 [sflag:s6], $0x1  }
0xb8: {  	s5 =	sor.u32 @!p0 s5, s7;
	[sflag:s6] =	ssyncadd.s32 @!p0 $0xFFFFFFFF  }
0xb9: {  	s25 =	simm.s32 $0x1B8E;
	s24 =	sld [smem:$0x3FFE];
	[sflag:s5] =	ssyncadd.remote.s32 @!p0 $0x1  }
0xba: {  	s26 =	simm.s32 $execute0_lowered;
	[smem:$0x3FD2] =	sst s25  }
0xbb: {  	s6 =	sshll.u32 s26, $0x1;
	_ =	strace $0x8000005B;
	[dreg:$0x1] =	wrdreg $0xFFFFFFFF  }
0xbc: {  	s28 =	simm.s32 $_size_execute0_lowered;
	s4 =	sadd.s32 s4, s6;
	[dreg:$0x0] =	wrdreg $0x0  }
0xbd: {  	s6 =	sshll.u32 s28, $0x1;
	[dreg:$0x2] =	wrdreg s4  }
0xbe: {  	[dreg:$0x3] =	wrdreg s6  }
0xbf: {  	[dreg:$0x4] =	wrdreg $0xC0  }
0xc0: {  	_ =	task [dreg:s22], $0x5FFFF  }
0xc1: {  	[dreg:$0x1] =	wrdreg $0xFFFFFFFF  }
0xc2: {  	[dreg:$0x0] =	wrdreg $0x60  }
0xc3: {  	[dreg:$0x2] =	wrdreg s17  }
0xc4: {  	[dreg:$0x3] =	wrdreg s24  }
0xc5: {  	[dreg:$0x4] =	wrdreg $0x9  }
0xc6: {  	_ =	task.clear_ibuf [dreg:s22], $0x5FFFF;
	_ =	strace $0x9000005B  }
0xc7: {  	s29 =	simm.s32 $0x9;
	_ =	strace $0x8000005D  }
0xc8: {  	_ =	swait.ge [sflag:s29], $0x1  }
0xc9: {  	[sflag:s29] =	ssyncadd.s32 $0xFFFFFFFF  }
0xca: {  	_ =	strace $0x9000005D  }
0xcb: {  	_ =	sfence  }
0xcc: {  	s30 =	sld [smem:$0x0];
	_ =	sdelay $0x2  }
0xcd: {  	s31 =	sshll.u32 s1, $0xD;
	s1 =	sshrl.u32 s1, $0x2  }
0xce: {  	s4 =	sand.u32 $0x4000, s31;
	s1 =	sadd.s32 s1, s30  }
0xcf: {  	s0 =	sor.u32 s4, s0;
	s1 =	sshll.u32 s1, $0x11  }
0xd0: {  	s0 =	sor.u32 s1, s0  }
0xd1: {  	s0 =	sadd.s32 $0x8F2B, s0  }
0xd2: {  	[sflag:s0] =	ssyncadd.remote.s32 $0x1  }
0xd3: {  	_ =	sfence.sel $0xFFFF  }
0xd4: {  	[dreg:$0x0] =	wrdreg $0xFFFFFFFF;
	(pc) =	sbr.abs _section_cstart, $3  }
0xd5: {  	[dreg:$0x1] =	wrdreg $0xFFFFFFFF  }
0xd6: {  	_ =	task.clear_ibuf [dreg:s22], $0x2FFFF;
	_ =	strace $0x9FFFFFFF  }
0xd7: {  	(tm) =	ssettm $0x7FFFFFFF  }
tec
execute0_lowered:
.L_overlay_start_1:
0x0: {  	(tag) =	ssettag $0x1  }
0x1: {  	s1 =	srdreg.scid  }
0x2: {  	s0 =	stileid.u32;
	s2 =	rddreg [dreg:$0x0];
	s6 =	sand.u32 $0x1, s1  }
0x3: {  	s9 =	rddreg [dreg:$0x1];
	s30 =	sshll.u32 s0, $0x7;
	s3 =	sshll.u32 s6, $0x6  }
0x4: {  	s7 =	simm.s32 $0x80;
	s8 =	simm.s32 $0x1;
	s10 =	sor.u32 s3, s30  }
0x5: {  	s1 =	rddreg [dreg:$0x2];
	s3 =	simm.s32 $0x0;
	s4 =	sshrl.u32 s10, $0x3  }
0x6: {  	s11 =	ssub.s32 $0x2, s6;
	[smem:$0x7FF] =	sst s3;
	s4 =	sadd.s32 s4, s9  }
0x7: {  	_ =	strace $0x8000005C;
	s5 =	sadd.s32 $0xB000, s4;
	s4 =	simm.s32 $0x2  }
0x8: {  	[tilespmem:s3], [sflag:$0x2] =	stream.linear.gather [hbm4b:s5+s3], $0x40, $0x38;
	[tilespmem:$0x2080] =	vst v63  }
0x9: {  	s6 =	simm.s32 $0x40;
	s12 =	sshrl.u32 s11, $0x1;
	_ =	swait.ge [sflag:s4], $0x40  }
0xa: {  	s10 =	sshll.u32 s10, $0x4;
	s31 =	ssub.s32 s11, s12;
	[sflag:s4] =	ssyncset.done $0x0  }
0xb: {  	s9 =	sadd.s32 s10, s9;
	s10 =	smax.u32 s31, $0x1;
	[sflag:s4] =	ssyncadd.s32 $0xFFFFFFC0  }
0xc: {  	[tilespmem:s7], [sflag:$0x1] =	stream.indirect.gather [hbm4b:s2+s6], $0x80, s3, s6, $0xb8;
	[tilespmem:$0x2080] =	vst v63  }
0xd: {  	p0 =	sne.s32 s10, $0x1;
	_ =	swait.ge [sflag:s8], $0x2000  }
.Ltmp0:
0xe: {  	[sflag:s8] =	ssyncset.done $0x0;
	(pc) =	sbr.rel @!p0 .LBB2_2-.Ltmp0, $4  }
0xf: {  	s9 =	sadd.s32 $0xB200, s9;
	[sflag:s8] =	ssyncadd.s32 $0xFFFFE000  }
0x10: {  	[hbm4b:s9+s3] =	stream.linear.scatter [tilespmem:s7], [sflag:$0x2], $0x2000, $0x38;
	[tilespmem:$0x2080] =	vst v63  }
0x11: {  	_ =	swait.ge [sflag:s4], $0x2000  }
0x12: {  	s10 =	sadd.s32 $0xFFFFFFFF, s10;
	[sflag:s4] =	ssyncset.done $0x0  }
.LBB2_1:
0x13: {  	p0 =	sne.s32 s10, $0x1;
	s10 =	sadd.s32 $0xFFFFFFFF, s10;
	[sflag:s4] =	ssyncadd.s32 $0xFFFFE000  }
0x14: {  	[tilespmem:s3], [sflag:$0x2] =	stream.linear.gather [hbm4b:s5+s3], $0x40, $0x38;
	[tilespmem:$0x2080] =	vst v63  }
0x15: {  	_ =	swait.ge [sflag:s4], $0x40  }
0x16: {  	[sflag:s4] =	ssyncset.done $0x0  }
0x17: {  	[sflag:s4] =	ssyncadd.s32 $0xFFFFFFC0  }
0x18: {  	[tilespmem:s7], [sflag:$0x1] =	stream.indirect.gather [hbm4b:s2+s6], $0x80, s3, s6, $0xb8;
	[tilespmem:$0x2080] =	vst v63  }
0x19: {  	_ =	swait.ge [sflag:s8], $0x2000  }
.Ltmp1:
0x1a: {  	[sflag:s8] =	ssyncset.done $0x0;
	(pc) =	sbr.rel @p0 .LBB2_1-.Ltmp1, $4  }
0x1b: {  	[sflag:s8] =	ssyncadd.s32 $0xFFFFE000  }
0x1c: {  	[hbm4b:s9+s3] =	stream.linear.scatter [tilespmem:s7], [sflag:$0x2], $0x2000, $0x38;
	[tilespmem:$0x2080] =	vst v63  }
0x1d: {  	_ =	swait.ge [sflag:s4], $0x2000  }
0x1e: {  	[sflag:s4] =	ssyncset.done $0x0  }
.LBB2_2:
0x1f: {  	[sflag:s4] =	ssyncadd.s32 $0xFFFFE000  }
0x20: {  	_ =	sfence.sel $0x180000  }
0x21: {  	[bflag:$0x0] =	sbarrier.arrive $0xFFFF  }
0x22: {  	p0 =	sne.s32 s0, $0x0;
	_ =	strace $0x9000005C  }
0x23: {  	s0 =	sadd.s32 @!p0 $0x100000, s1;
	[bflag:$0x2] =	sbarrier.arrive $0xFFFF  }
0x24: {  	[sflag:s0] =	ssyncadd.tile.s32 @!p0 $0x1;
	_ =	shalt  }
.Lfunc_end2:
_tile_overlayer_lowered:
.L_overlay_start_2:
0x25: {  	(tag) =	ssettag $0x2  }
0x26: {  	s0 =	rddreg [dreg:$0x0];
	s2 =	stileid.u32  }
0x27: {  	s1 =	rddreg [dreg:$0x1];
	p0 =	sne.s32 s2, $0x0  }
0x28: {  	s3 =	rddreg [dreg:$0x2];
	[bflag:$0x3] =	sbarrier.arrive $0xFFFF;
	s2 =	simm.s32 @!p0 $0x1C02  }
0x29: {  	[timem:s3], [sflag:s2] =	dma.local @!p0 [hbm:s0], s1  }
0x2a: {  	s0 =	simm.s32 @!p0 $0x2  }
0x2b: {  	_ =	swait.ge @!p0 [sflag:s0], s1  }
0x2c: {  	s1 =	ssub.s32 @!p0 $0x0, s1;
	[sflag:s0] =	ssyncset.done @!p0 $0x0  }
0x2d: {  	[sflag:s0] =	ssyncadd.s32 @!p0 s1  }
0x2e: {  	[bflag:$0x3] =	sbarrier.arrive $0xFFFF  }
0x2f: {  	_ =	shalt  }

</sc_bundles>
